<compile_context>
chip_gen: v7x
topology: tpu7x:2x2x1
jax: 0.10.2.dev20260603
libtpu: 0.0.44.dev20260713+nightly
codegen_flags: <defaults>
</compile_context>

<pallas_src>
import functools

import jax
import jax.numpy as jnp
from jax import lax
from jax.experimental import pallas as pl
from jax.experimental.pallas import tpu as pltpu
from jax.experimental.pallas import tpu_sc as plsc

NC = 2
NS = 16
NW = NC * NS

CH = 128
L = 16
KC = 2048


def _repack_table(emb_t, vh):
    d, v = emb_t.shape
    nh = vh // KC
    nb_last = (v + KC - 1) // KC - 1

    def body(xl_ref, xh_ref, o_ref):
        o_ref[:, 0:d] = jnp.swapaxes(xl_ref[...], 0, 1)
        o_ref[:, d:2 * d] = jnp.swapaxes(xh_ref[...], 0, 1)

    return pl.pallas_call(
        body,
        grid=(nh,),
        in_specs=[
            pl.BlockSpec((d, KC), lambda j: (0, j)),
            pl.BlockSpec((d, KC), lambda j: (0, jnp.minimum(j + nh, nb_last))),
        ],
        out_specs=pl.BlockSpec((KC, 2 * d), lambda j: (j, 0)),
        out_shape=jax.ShapeDtypeStruct((vh, 2 * d), jnp.float32),
    )(emb_t, emb_t)


def _prep_idx(idx2, sh):
    def body(x_ref, m_ref, p_ref):
        x = x_ref[...]
        m_ref[...] = jnp.bitwise_and(x, (1 << sh) - 1)
        p_ref[...] = lax.shift_left(lax.shift_right_logical(x, sh), 6)

    return pl.pallas_call(
        body,
        out_shape=(
            jax.ShapeDtypeStruct(idx2.shape, jnp.int32),
            jax.ShapeDtypeStruct(idx2.shape, jnp.int32),
        ),
    )(idx2)


def _emb_lookup(table, idxm3, idxp3, *, b, h, d):
    n = b * h
    T = n // (NW * CH)
    jb_n = b // CH

    mesh = plsc.VectorSubcoreMesh(core_axis_name="c", subcore_axis_name="s")

    @functools.partial(
        pl.kernel,
        out_type=jax.ShapeDtypeStruct((h * d, b), jnp.float32),
        mesh=mesh,
        scratch_types=[
            pltpu.VMEM((T, CH), jnp.int32),
            pltpu.VMEM((T, CH), jnp.int32),
            pltpu.VMEM((CH, 2 * d), jnp.float32),
            pltpu.VMEM((CH, 2 * d), jnp.float32),
            pltpu.VMEM((d, CH), jnp.float32),
            pltpu.SemaphoreType.DMA,
        ],
        compiler_params=pltpu.CompilerParams(needs_layout_passes=False),
    )
    def body(table_hbm, idxm_hbm, idxp_hbm, out_hbm, ivh, ivp, g0, g1,
             o_v, gsem):
        wid = lax.axis_index("s") * NC + lax.axis_index("c")
        c0 = wid * T

        pltpu.sync_copy(idxm_hbm.at[wid], ivh)
        pltpu.sync_copy(idxp_hbm.at[wid], ivp)

        def fire(t, gbuf):
            pltpu.async_copy(table_hbm.at[ivh.at[t]], gbuf, gsem)

        def drain(t, gbuf):
            pltpu.make_async_copy(table_hbm.at[ivh.at[t]], gbuf, gsem).wait()

        kvec = lax.iota(jnp.int32, L)
        rowvs = [kvec + (jg * L) for jg in range(CH // L)]

        def transpose_put(t, gbuf):
            pars = [ivp[t, pl.ds(jg * L, L)] for jg in range(CH // L)]

            @pl.loop(0, L)
            def _(s):
                perm = jnp.bitwise_and(kvec + s, L - 1)
                for eg in range(d // L):
                    pe = perm + (eg * L)
                    for jg in range(CH // L):
                        vals = plsc.load_gather(
                            gbuf, [rowvs[jg], pe + pars[jg]]
                        )
                        plsc.store_scatter(o_v, [pe, rowvs[jg]], vals)

            cid = c0 + t
            hh = lax.div(cid, jb_n)
            jb = lax.rem(cid, jb_n)
            pltpu.sync_copy(
                o_v, out_hbm.at[pl.ds(hh * d, d), pl.ds(jb * CH, CH)]
            )

        fire(0, g0)

        @pl.loop(0, T // 2)
        def _(tt):
            t0 = tt * 2
            fire(t0 + 1, g1)
            drain(t0, g0)
            transpose_put(t0, g0)

            @pl.when(t0 + 2 < T)
            def _():
                fire(t0 + 2, g0)

            drain(t0 + 1, g1)
            transpose_put(t0 + 1, g1)

    return body(table, idxm3, idxp3)


def kernel(emb_mat, input):
    v, d = emb_mat.shape
    b, h = input.shape
    n = b * h
    T = n // (NW * CH)
    sh = max((v - 1).bit_length() - 1, 0)
    table = _repack_table(emb_mat.T, 1 << sh)
    idx2 = input.T.reshape(n // CH, CH).astype(jnp.int32)
    idxm, idxp = _prep_idx(idx2, sh)
    idxm3 = idxm.reshape(NW, T, CH)
    idxp3 = idxp.reshape(NW, T, CH)
    out2d = _emb_lookup(table, idxm3, idxp3, b=b, h=h, d=d)
    return out2d.reshape(h, d, b).transpose(2, 0, 1)

# --- scband reference (transcript-rebuilt; emitter-appended) ---
"""Pipeline reference for scband-embedding-model-22325240004783 (READ-ONLY COPY).

The authoritative reference and input builder live on the scoring server;
editing this copy changes nothing except your own understanding.
"""

import jax, jax.numpy as jnp
import numpy as np

VOCAB = 1000000
EMBED = 64
BATCH = 16384
HIST = 20

def setup_inputs(seed: int = 0) -> dict:
    key = jax.random.key(seed)
    k1, k2 = jax.random.split(key)
    emb_mat = jax.random.normal(k1, (VOCAB, EMBED), dtype=jnp.float32)
    indices = jax.random.randint(k2, (BATCH, HIST), 0, VOCAB, dtype=jnp.int64 if jax.config.jax_enable_x64 else jnp.int32)
    return {"emb_mat": emb_mat, "input": indices}

def reference(emb_mat, input):
    # tf.nn.embedding_lookup(emb_mat, input) -> gather rows
    return jnp.take(emb_mat, input, axis=0)

if __name__ == "__main__":
    import jax
    _d = setup_inputs()
    print(jax.jit(kernel)(*tuple(_d.values())))

</pallas_src>

<mosaic_0001>
#map = affine_map<(d0, d1) -> (0, 0)>
#map1 = affine_map<(d0, d1) -> (0, 0, 0)>
module attributes {stable_mosaic.version = 14 : i64} {
  func.func @body(%arg0: i32, %arg1: i32, %arg2: memref<524288x128xf32, #tpu.memory_space<hbm>>, %arg3: memref<32x80x128xi32, #tpu.memory_space<hbm>>, %arg4: memref<32x80x128xi32, #tpu.memory_space<hbm>>, %arg5: memref<1280x16384xf32, #tpu.memory_space<hbm>>, %arg6: memref<80x128xi32, #tpu.memory_space<vmem>>, %arg7: memref<80x128xi32, #tpu.memory_space<vmem>>, %arg8: memref<128x128xf32, #tpu.memory_space<vmem>>, %arg9: memref<128x128xf32, #tpu.memory_space<vmem>>, %arg10: memref<64x128xf32, #tpu.memory_space<vmem>>, %arg11: memref<!tpu.dma_semaphore, #tpu.memory_space<semaphore_mem>>) attributes {dimension_semantics = [#tpu.dimension_semantics<core_parallel>, #tpu.dimension_semantics<subcore_parallel>], iteration_bounds = array<i64: 2, 16>, scalar_prefetch = 0 : i64, scratch_operands = 6 : i64, tpu.core_type = #tpu.core_type<sc_vector_subcore>, window_params = [{transform_indices = #map}, {transform_indices = #map1}, {transform_indices = #map1}, {transform_indices = #map}]} {
    %mul3A = arith.constant 2 : i32
    %mul3A_0 = arith.muli %arg1, %mul3A : i32
    %add3A = arith.addi %mul3A_0, %arg0 : i32
    %mul3A_1 = arith.constant 80 : i32
    %mul3A_2 = arith.muli %add3A, %mul3A_1 : i32
    "tpu.region"() ({
      %run_scoped3A = tpu.sem_alloc : memref<!tpu.dma_semaphore, #tpu.memory_space<semaphore_mem>>
      %dma_start3A_37 = arith.constant 0 : i32
      %dma_start3A_38 = arith.constant 0 : i32
      %dma_start3A_39 = tpu.memref_slice %arg3[%add3A, %dma_start3A_37, %dma_start3A_38] : memref<32x80x128xi32, #tpu.memory_space<hbm>> -> memref<1x80x128xi32, #tpu.memory_space<hbm>>
      %dma_start3A_40 = tpu.memref_squeeze %dma_start3A_39 : memref<1x80x128xi32, #tpu.memory_space<hbm>> -> memref<80x128xi32, #tpu.memory_space<hbm>>
      %dma_start3A_41 = arith.constant 0 : i32
      %dma_start3A_42 = arith.constant 0 : i32
      %dma_start3A_43 = tpu.memref_slice %arg3[%add3A, %dma_start3A_41, %dma_start3A_42] : memref<32x80x128xi32, #tpu.memory_space<hbm>> -> memref<1x80x128xi32, #tpu.memory_space<hbm>>
      %dma_start3A_44 = tpu.memref_squeeze %dma_start3A_43 : memref<1x80x128xi32, #tpu.memory_space<hbm>> -> memref<80x128xi32, #tpu.memory_space<hbm>>
      tpu.enqueue_dma source(%dma_start3A_44 : memref<80x128xi32, #tpu.memory_space<hbm>>) target(%arg6 : memref<80x128xi32, #tpu.memory_space<vmem>>) target_semaphore(%run_scoped3A : memref<!tpu.dma_semaphore, #tpu.memory_space<semaphore_mem>>)
      %dma_wait3A = arith.constant 0 : i32
      %dma_wait3A_45 = arith.constant 0 : i32
      %dma_wait3A_46 = tpu.memref_slice %arg3[%add3A, %dma_wait3A, %dma_wait3A_45] : memref<32x80x128xi32, #tpu.memory_space<hbm>> -> memref<1x80x128xi32, #tpu.memory_space<hbm>>
      %dma_wait3A_47 = tpu.memref_squeeze %dma_wait3A_46 : memref<1x80x128xi32, #tpu.memory_space<hbm>> -> memref<80x128xi32, #tpu.memory_space<hbm>>
      %dma_wait3A_48 = arith.constant 0 : i32
      %dma_wait3A_49 = arith.constant 0 : i32
      %dma_wait3A_50 = tpu.memref_slice %arg3[%add3A, %dma_wait3A_48, %dma_wait3A_49] : memref<32x80x128xi32, #tpu.memory_space<hbm>> -> memref<1x80x128xi32, #tpu.memory_space<hbm>>
      %dma_wait3A_51 = tpu.memref_squeeze %dma_wait3A_50 : memref<1x80x128xi32, #tpu.memory_space<hbm>> -> memref<80x128xi32, #tpu.memory_space<hbm>>
      tpu.wait_dma2 semaphore(%run_scoped3A : memref<!tpu.dma_semaphore, #tpu.memory_space<semaphore_mem>>) src(%dma_wait3A_51 : memref<80x128xi32, #tpu.memory_space<hbm>>) dst(%arg6 : memref<80x128xi32, #tpu.memory_space<vmem>>)
      tpu.yield
    }) : () -> ()
    "tpu.region"() ({
      %run_scoped3A = tpu.sem_alloc : memref<!tpu.dma_semaphore, #tpu.memory_space<semaphore_mem>>
      %dma_start3A_37 = arith.constant 0 : i32
      %dma_start3A_38 = arith.constant 0 : i32
      %dma_start3A_39 = tpu.memref_slice %arg4[%add3A, %dma_start3A_37, %dma_start3A_38] : memref<32x80x128xi32, #tpu.memory_space<hbm>> -> memref<1x80x128xi32, #tpu.memory_space<hbm>>
      %dma_start3A_40 = tpu.memref_squeeze %dma_start3A_39 : memref<1x80x128xi32, #tpu.memory_space<hbm>> -> memref<80x128xi32, #tpu.memory_space<hbm>>
      %dma_start3A_41 = arith.constant 0 : i32
      %dma_start3A_42 = arith.constant 0 : i32
      %dma_start3A_43 = tpu.memref_slice %arg4[%add3A, %dma_start3A_41, %dma_start3A_42] : memref<32x80x128xi32, #tpu.memory_space<hbm>> -> memref<1x80x128xi32, #tpu.memory_space<hbm>>
      %dma_start3A_44 = tpu.memref_squeeze %dma_start3A_43 : memref<1x80x128xi32, #tpu.memory_space<hbm>> -> memref<80x128xi32, #tpu.memory_space<hbm>>
      tpu.enqueue_dma source(%dma_start3A_44 : memref<80x128xi32, #tpu.memory_space<hbm>>) target(%arg7 : memref<80x128xi32, #tpu.memory_space<vmem>>) target_semaphore(%run_scoped3A : memref<!tpu.dma_semaphore, #tpu.memory_space<semaphore_mem>>)
      %dma_wait3A = arith.constant 0 : i32
      %dma_wait3A_45 = arith.constant 0 : i32
      %dma_wait3A_46 = tpu.memref_slice %arg4[%add3A, %dma_wait3A, %dma_wait3A_45] : memref<32x80x128xi32, #tpu.memory_space<hbm>> -> memref<1x80x128xi32, #tpu.memory_space<hbm>>
      %dma_wait3A_47 = tpu.memref_squeeze %dma_wait3A_46 : memref<1x80x128xi32, #tpu.memory_space<hbm>> -> memref<80x128xi32, #tpu.memory_space<hbm>>
      %dma_wait3A_48 = arith.constant 0 : i32
      %dma_wait3A_49 = arith.constant 0 : i32
      %dma_wait3A_50 = tpu.memref_slice %arg4[%add3A, %dma_wait3A_48, %dma_wait3A_49] : memref<32x80x128xi32, #tpu.memory_space<hbm>> -> memref<1x80x128xi32, #tpu.memory_space<hbm>>
      %dma_wait3A_51 = tpu.memref_squeeze %dma_wait3A_50 : memref<1x80x128xi32, #tpu.memory_space<hbm>> -> memref<80x128xi32, #tpu.memory_space<hbm>>
      tpu.wait_dma2 semaphore(%run_scoped3A : memref<!tpu.dma_semaphore, #tpu.memory_space<semaphore_mem>>) src(%dma_wait3A_51 : memref<80x128xi32, #tpu.memory_space<hbm>>) dst(%arg7 : memref<80x128xi32, #tpu.memory_space<vmem>>)
      tpu.yield
    }) : () -> ()
    %iota3A = tpu.iota {dimensions = array<i32: 0>} : vector<16xi32>
    %add3A_3 = arith.constant 0 : i32
    %add3A_4 = vector.broadcast %add3A_3 : i32 to vector<16xi32>
    %add3A_5 = arith.addi %iota3A, %add3A_4 : vector<16xi32>
    %add3A_6 = arith.constant 16 : i32
    %add3A_7 = vector.broadcast %add3A_6 : i32 to vector<16xi32>
    %add3A_8 = arith.addi %iota3A, %add3A_7 : vector<16xi32>
    %add3A_9 = arith.constant 32 : i32
    %add3A_10 = vector.broadcast %add3A_9 : i32 to vector<16xi32>
    %add3A_11 = arith.addi %iota3A, %add3A_10 : vector<16xi32>
    %add3A_12 = arith.constant 48 : i32
    %add3A_13 = vector.broadcast %add3A_12 : i32 to vector<16xi32>
    %add3A_14 = arith.addi %iota3A, %add3A_13 : vector<16xi32>
    %add3A_15 = arith.constant 64 : i32
    %add3A_16 = vector.broadcast %add3A_15 : i32 to vector<16xi32>
    %add3A_17 = arith.addi %iota3A, %add3A_16 : vector<16xi32>
    %add3A_18 = arith.constant 80 : i32
    %add3A_19 = vector.broadcast %add3A_18 : i32 to vector<16xi32>
    %add3A_20 = arith.addi %iota3A, %add3A_19 : vector<16xi32>
    %add3A_21 = arith.constant 96 : i32
    %add3A_22 = vector.broadcast %add3A_21 : i32 to vector<16xi32>
    %add3A_23 = arith.addi %iota3A, %add3A_22 : vector<16xi32>
    %add3A_24 = arith.constant 112 : i32
    %add3A_25 = vector.broadcast %add3A_24 : i32 to vector<16xi32>
    %add3A_26 = arith.addi %iota3A, %add3A_25 : vector<16xi32>
    %dma_start3A = arith.constant 0 : i32
    %dma_start3A_27 = arith.constant 0 : i32
    %dma_start3A_28 = tpu.memref_slice %arg6[%dma_start3A, %dma_start3A_27] : memref<80x128xi32, #tpu.memory_space<vmem>> -> memref<1x128xi32, #tpu.memory_space<vmem>>
    %dma_start3A_29 = tpu.memref_squeeze %dma_start3A_28 : memref<1x128xi32, #tpu.memory_space<vmem>> -> memref<128xi32, #tpu.memory_space<vmem>>
    %dma_start3A_30 = arith.constant 0 : i32
    %dma_start3A_31 = arith.constant 0 : i32
    %dma_start3A_32 = tpu.memref_slice %arg2[%dma_start3A_30, %dma_start3A_31] : memref<524288x128xf32, #tpu.memory_space<hbm>> -> memref<524288x128xf32, #tpu.memory_space<hbm>>
    tpu.enqueue_indirect_dma source(%dma_start3A_32 : memref<524288x128xf32, #tpu.memory_space<hbm>>) target(%arg8 : memref<128x128xf32, #tpu.memory_space<vmem>>) offsets(%dma_start3A_29 : memref<128xi32, #tpu.memory_space<vmem>>) semaphore(%arg11 : memref<!tpu.dma_semaphore, #tpu.memory_space<semaphore_mem>>)
    %scan3A = arith.constant 0 : i32
    %scan3A_33 = arith.constant 40 : i32
    %scan3A_34 = arith.addi %scan3A, %scan3A_33 : i32
    %scan3A_35 = arith.constant 1 : i32
    scf.for %scan3A_37 = %scan3A to %scan3A_34 step %scan3A_35  : i32 {
      %mul3A_38 = arith.constant 1 : i32
      %mul3A_39 = arith.muli %scan3A_37, %mul3A_38 : i32
      %add3A_40 = arith.constant 0 : i32
      %add3A_41 = arith.addi %add3A_40, %mul3A_39 : i32
      %mul3A_42 = arith.constant 2 : i32
      %mul3A_43 = arith.muli %add3A_41, %mul3A_42 : i32
      %add3A_44 = arith.constant 1 : i32
      %add3A_45 = arith.addi %mul3A_43, %add3A_44 : i32
      %dma_start3A_46 = arith.constant 0 : i32
      %dma_start3A_47 = tpu.memref_slice %arg6[%add3A_45, %dma_start3A_46] : memref<80x128xi32, #tpu.memory_space<vmem>> -> memref<1x128xi32, #tpu.memory_space<vmem>>
      %dma_start3A_48 = tpu.memref_squeeze %dma_start3A_47 : memref<1x128xi32, #tpu.memory_space<vmem>> -> memref<128xi32, #tpu.memory_space<vmem>>
      %dma_start3A_49 = arith.constant 0 : i32
      %dma_start3A_50 = arith.constant 0 : i32
      %dma_start3A_51 = tpu.memref_slice %arg2[%dma_start3A_49, %dma_start3A_50] : memref<524288x128xf32, #tpu.memory_space<hbm>> -> memref<524288x128xf32, #tpu.memory_space<hbm>>
      tpu.enqueue_indirect_dma source(%dma_start3A_51 : memref<524288x128xf32, #tpu.memory_space<hbm>>) target(%arg9 : memref<128x128xf32, #tpu.memory_space<vmem>>) offsets(%dma_start3A_48 : memref<128xi32, #tpu.memory_space<vmem>>) semaphore(%arg11 : memref<!tpu.dma_semaphore, #tpu.memory_space<semaphore_mem>>)
      %dma_wait3A = arith.constant 0 : i32
      %dma_wait3A_52 = tpu.memref_slice %arg6[%mul3A_43, %dma_wait3A] : memref<80x128xi32, #tpu.memory_space<vmem>> -> memref<1x128xi32, #tpu.memory_space<vmem>>
      %dma_wait3A_53 = tpu.memref_squeeze %dma_wait3A_52 : memref<1x128xi32, #tpu.memory_space<vmem>> -> memref<128xi32, #tpu.memory_space<vmem>>
      %dma_wait3A_54 = arith.constant 0 : i32
      %dma_wait3A_55 = arith.constant 0 : i32
      %dma_wait3A_56 = tpu.memref_slice %arg2[%dma_wait3A_54, %dma_wait3A_55] : memref<524288x128xf32, #tpu.memory_space<hbm>> -> memref<524288x128xf32, #tpu.memory_space<hbm>>
      tpu.wait_indirect_dma semaphore(%arg11 : memref<!tpu.dma_semaphore, #tpu.memory_space<semaphore_mem>>) src(%dma_wait3A_56 : memref<524288x128xf32, #tpu.memory_space<hbm>>) dst(%arg8 : memref<128x128xf32, #tpu.memory_space<vmem>>)
      %get3A = arith.index_cast %mul3A_43 : i32 to index
      %get3A_57 = arith.constant 0 : index
      %get3A_58 = tpu.vector_load %arg7[%get3A, %get3A_57] {strides = array<i32>} : memref<80x128xi32, #tpu.memory_space<vmem>>, vector<16xi32>,
      %get3A_59 = arith.index_cast %mul3A_43 : i32 to index
      %get3A_60 = arith.constant 16 : index
      %get3A_61 = tpu.vector_load %arg7[%get3A_59, %get3A_60] {strides = array<i32>} : memref<80x128xi32, #tpu.memory_space<vmem>>, vector<16xi32>,
      %get3A_62 = arith.index_cast %mul3A_43 : i32 to index
      %get3A_63 = arith.constant 32 : index
      %get3A_64 = tpu.vector_load %arg7[%get3A_62, %get3A_63] {strides = array<i32>} : memref<80x128xi32, #tpu.memory_space<vmem>>, vector<16xi32>,
      %get3A_65 = arith.index_cast %mul3A_43 : i32 to index
      %get3A_66 = arith.constant 48 : index
      %get3A_67 = tpu.vector_load %arg7[%get3A_65, %get3A_66] {strides = array<i32>} : memref<80x128xi32, #tpu.memory_space<vmem>>, vector<16xi32>,
      %get3A_68 = arith.index_cast %mul3A_43 : i32 to index
      %get3A_69 = arith.constant 64 : index
      %get3A_70 = tpu.vector_load %arg7[%get3A_68, %get3A_69] {strides = array<i32>} : memref<80x128xi32, #tpu.memory_space<vmem>>, vector<16xi32>,
      %get3A_71 = arith.index_cast %mul3A_43 : i32 to index
      %get3A_72 = arith.constant 80 : index
      %get3A_73 = tpu.vector_load %arg7[%get3A_71, %get3A_72] {strides = array<i32>} : memref<80x128xi32, #tpu.memory_space<vmem>>, vector<16xi32>,
      %get3A_74 = arith.index_cast %mul3A_43 : i32 to index
      %get3A_75 = arith.constant 96 : index
      %get3A_76 = tpu.vector_load %arg7[%get3A_74, %get3A_75] {strides = array<i32>} : memref<80x128xi32, #tpu.memory_space<vmem>>, vector<16xi32>,
      %get3A_77 = arith.index_cast %mul3A_43 : i32 to index
      %get3A_78 = arith.constant 112 : index
      %get3A_79 = tpu.vector_load %arg7[%get3A_77, %get3A_78] {strides = array<i32>} : memref<80x128xi32, #tpu.memory_space<vmem>>, vector<16xi32>,
      %scan3A_80 = arith.constant 0 : i32
      %scan3A_81 = arith.constant 16 : i32
      %scan3A_82 = arith.addi %scan3A_80, %scan3A_81 : i32
      %scan3A_83 = arith.constant 1 : i32
      scf.for %scan3A_144 = %scan3A_80 to %scan3A_82 step %scan3A_83  : i32 {
        %mul3A_145 = arith.constant 1 : i32
        %mul3A_146 = arith.muli %scan3A_144, %mul3A_145 : i32
        %add3A_147 = arith.constant 0 : i32
        %add3A_148 = arith.addi %add3A_147, %mul3A_146 : i32
        %add3A_149 = vector.broadcast %add3A_148 : i32 to vector<16xi32>
        %add3A_150 = arith.addi %iota3A, %add3A_149 : vector<16xi32>
        %and3A = arith.constant 15 : i32
        %and3A_151 = vector.broadcast %and3A : i32 to vector<16xi32>
        %and3A_152 = arith.andi %add3A_150, %and3A_151 : vector<16xi32>
        %add3A_153 = arith.constant 0 : i32
        %add3A_154 = vector.broadcast %add3A_153 : i32 to vector<16xi32>
        %add3A_155 = arith.addi %and3A_152, %add3A_154 : vector<16xi32>
        %add3A_156 = arith.addi %add3A_155, %get3A_58 : vector<16xi32>
        %gather3A = tpu.vector_load_idx %arg8[%add3A_5, %add3A_156] : memref<128x128xf32, #tpu.memory_space<vmem>>[vector<16xi32>, vector<16xi32>], vector<16xf32>,
        tpu.vector_store_idx %arg10[%add3A_155, %add3A_5], %gather3A : memref<64x128xf32, #tpu.memory_space<vmem>>[vector<16xi32>, vector<16xi32>], vector<16xf32>,
        %add3A_157 = arith.addi %add3A_155, %get3A_61 : vector<16xi32>
        %gather3A_158 = tpu.vector_load_idx %arg8[%add3A_8, %add3A_157] : memref<128x128xf32, #tpu.memory_space<vmem>>[vector<16xi32>, vector<16xi32>], vector<16xf32>,
        tpu.vector_store_idx %arg10[%add3A_155, %add3A_8], %gather3A_158 : memref<64x128xf32, #tpu.memory_space<vmem>>[vector<16xi32>, vector<16xi32>], vector<16xf32>,
        %add3A_159 = arith.addi %add3A_155, %get3A_64 : vector<16xi32>
        %gather3A_160 = tpu.vector_load_idx %arg8[%add3A_11, %add3A_159] : memref<128x128xf32, #tpu.memory_space<vmem>>[vector<16xi32>, vector<16xi32>], vector<16xf32>,
        tpu.vector_store_idx %arg10[%add3A_155, %add3A_11], %gather3A_160 : memref<64x128xf32, #tpu.memory_space<vmem>>[vector<16xi32>, vector<16xi32>], vector<16xf32>,
        %add3A_161 = arith.addi %add3A_155, %get3A_67 : vector<16xi32>
        %gather3A_162 = tpu.vector_load_idx %arg8[%add3A_14, %add3A_161] : memref<128x128xf32, #tpu.memory_space<vmem>>[vector<16xi32>, vector<16xi32>], vector<16xf32>,
        tpu.vector_store_idx %arg10[%add3A_155, %add3A_14], %gather3A_162 : memref<64x128xf32, #tpu.memory_space<vmem>>[vector<16xi32>, vector<16xi32>], vector<16xf32>,
        %add3A_163 = arith.addi %add3A_155, %get3A_70 : vector<16xi32>
        %gather3A_164 = tpu.vector_load_idx %arg8[%add3A_17, %add3A_163] : memref<128x128xf32, #tpu.memory_space<vmem>>[vector<16xi32>, vector<16xi32>], vector<16xf32>,
        tpu.vector_store_idx %arg10[%add3A_155, %add3A_17], %gather3A_164 : memref<64x128xf32, #tpu.memory_space<vmem>>[vector<16xi32>, vector<16xi32>], vector<16xf32>,
        %add3A_165 = arith.addi %add3A_155, %get3A_73 : vector<16xi32>
        %gather3A_166 = tpu.vector_load_idx %arg8[%add3A_20, %add3A_165] : memref<128x128xf32, #tpu.memory_space<vmem>>[vector<16xi32>, vector<16xi32>], vector<16xf32>,
        tpu.vector_store_idx %arg10[%add3A_155, %add3A_20], %gather3A_166 : memref<64x128xf32, #tpu.memory_space<vmem>>[vector<16xi32>, vector<16xi32>], vector<16xf32>,
        %add3A_167 = arith.addi %add3A_155, %get3A_76 : vector<16xi32>
        %gather3A_168 = tpu.vector_load_idx %arg8[%add3A_23, %add3A_167] : memref<128x128xf32, #tpu.memory_space<vmem>>[vector<16xi32>, vector<16xi32>], vector<16xf32>,
        tpu.vector_store_idx %arg10[%add3A_155, %add3A_23], %gather3A_168 : memref<64x128xf32, #tpu.memory_space<vmem>>[vector<16xi32>, vector<16xi32>], vector<16xf32>,
        %add3A_169 = arith.addi %add3A_155, %get3A_79 : vector<16xi32>
        %gather3A_170 = tpu.vector_load_idx %arg8[%add3A_26, %add3A_169] : memref<128x128xf32, #tpu.memory_space<vmem>>[vector<16xi32>, vector<16xi32>], vector<16xf32>,
        tpu.vector_store_idx %arg10[%add3A_155, %add3A_26], %gather3A_170 : memref<64x128xf32, #tpu.memory_space<vmem>>[vector<16xi32>, vector<16xi32>], vector<16xf32>,
        %add3A_171 = arith.constant 16 : i32
        %add3A_172 = vector.broadcast %add3A_171 : i32 to vector<16xi32>
        %add3A_173 = arith.addi %and3A_152, %add3A_172 : vector<16xi32>
        %add3A_174 = arith.addi %add3A_173, %get3A_58 : vector<16xi32>
        %gather3A_175 = tpu.vector_load_idx %arg8[%add3A_5, %add3A_174] : memref<128x128xf32, #tpu.memory_space<vmem>>[vector<16xi32>, vector<16xi32>], vector<16xf32>,
        tpu.vector_store_idx %arg10[%add3A_173, %add3A_5], %gather3A_175 : memref<64x128xf32, #tpu.memory_space<vmem>>[vector<16xi32>, vector<16xi32>], vector<16xf32>,
        %add3A_176 = arith.addi %add3A_173, %get3A_61 : vector<16xi32>
        %gather3A_177 = tpu.vector_load_idx %arg8[%add3A_8, %add3A_176] : memref<128x128xf32, #tpu.memory_space<vmem>>[vector<16xi32>, vector<16xi32>], vector<16xf32>,
        tpu.vector_store_idx %arg10[%add3A_173, %add3A_8], %gather3A_177 : memref<64x128xf32, #tpu.memory_space<vmem>>[vector<16xi32>, vector<16xi32>], vector<16xf32>,
        %add3A_178 = arith.addi %add3A_173, %get3A_64 : vector<16xi32>
        %gather3A_179 = tpu.vector_load_idx %arg8[%add3A_11, %add3A_178] : memref<128x128xf32, #tpu.memory_space<vmem>>[vector<16xi32>, vector<16xi32>], vector<16xf32>,
        tpu.vector_store_idx %arg10[%add3A_173, %add3A_11], %gather3A_179 : memref<64x128xf32, #tpu.memory_space<vmem>>[vector<16xi32>, vector<16xi32>], vector<16xf32>,
        %add3A_180 = arith.addi %add3A_173, %get3A_67 : vector<16xi32>
        %gather3A_181 = tpu.vector_load_idx %arg8[%add3A_14, %add3A_180] : memref<128x128xf32, #tpu.memory_space<vmem>>[vector<16xi32>, vector<16xi32>], vector<16xf32>,
        tpu.vector_store_idx %arg10[%add3A_173, %add3A_14], %gather3A_181 : memref<64x128xf32, #tpu.memory_space<vmem>>[vector<16xi32>, vector<16xi32>], vector<16xf32>,
        %add3A_182 = arith.addi %add3A_173, %get3A_70 : vector<16xi32>
        %gather3A_183 = tpu.vector_load_idx %arg8[%add3A_17, %add3A_182] : memref<128x128xf32, #tpu.memory_space<vmem>>[vector<16xi32>, vector<16xi32>], vector<16xf32>,
        tpu.vector_store_idx %arg10[%add3A_173, %add3A_17], %gather3A_183 : memref<64x128xf32, #tpu.memory_space<vmem>>[vector<16xi32>, vector<16xi32>], vector<16xf32>,
        %add3A_184 = arith.addi %add3A_173, %get3A_73 : vector<16xi32>
        %gather3A_185 = tpu.vector_load_idx %arg8[%add3A_20, %add3A_184] : memref<128x128xf32, #tpu.memory_space<vmem>>[vector<16xi32>, vector<16xi32>], vector<16xf32>,
        tpu.vector_store_idx %arg10[%add3A_173, %add3A_20], %gather3A_185 : memref<64x128xf32, #tpu.memory_space<vmem>>[vector<16xi32>, vector<16xi32>], vector<16xf32>,
        %add3A_186 = arith.addi %add3A_173, %get3A_76 : vector<16xi32>
        %gather3A_187 = tpu.vector_load_idx %arg8[%add3A_23, %add3A_186] : memref<128x128xf32, #tpu.memory_space<vmem>>[vector<16xi32>, vector<16xi32>], vector<16xf32>,
        tpu.vector_store_idx %arg10[%add3A_173, %add3A_23], %gather3A_187 : memref<64x128xf32, #tpu.memory_space<vmem>>[vector<16xi32>, vector<16xi32>], vector<16xf32>,
        %add3A_188 = arith.addi %add3A_173, %get3A_79 : vector<16xi32>
        %gather3A_189 = tpu.vector_load_idx %arg8[%add3A_26, %add3A_188] : memref<128x128xf32, #tpu.memory_space<vmem>>[vector<16xi32>, vector<16xi32>], vector<16xf32>,
        tpu.vector_store_idx %arg10[%add3A_173, %add3A_26], %gather3A_189 : memref<64x128xf32, #tpu.memory_space<vmem>>[vector<16xi32>, vector<16xi32>], vector<16xf32>,
        %add3A_190 = arith.constant 32 : i32
        %add3A_191 = vector.broadcast %add3A_190 : i32 to vector<16xi32>
        %add3A_192 = arith.addi %and3A_152, %add3A_191 : vector<16xi32>
        %add3A_193 = arith.addi %add3A_192, %get3A_58 : vector<16xi32>
        %gather3A_194 = tpu.vector_load_idx %arg8[%add3A_5, %add3A_193] : memref<128x128xf32, #tpu.memory_space<vmem>>[vector<16xi32>, vector<16xi32>], vector<16xf32>,
        tpu.vector_store_idx %arg10[%add3A_192, %add3A_5], %gather3A_194 : memref<64x128xf32, #tpu.memory_space<vmem>>[vector<16xi32>, vector<16xi32>], vector<16xf32>,
        %add3A_195 = arith.addi %add3A_192, %get3A_61 : vector<16xi32>
        %gather3A_196 = tpu.vector_load_idx %arg8[%add3A_8, %add3A_195] : memref<128x128xf32, #tpu.memory_space<vmem>>[vector<16xi32>, vector<16xi32>], vector<16xf32>,
        tpu.vector_store_idx %arg10[%add3A_192, %add3A_8], %gather3A_196 : memref<64x128xf32, #tpu.memory_space<vmem>>[vector<16xi32>, vector<16xi32>], vector<16xf32>,
        %add3A_197 = arith.addi %add3A_192, %get3A_64 : vector<16xi32>
        %gather3A_198 = tpu.vector_load_idx %arg8[%add3A_11, %add3A_197] : memref<128x128xf32, #tpu.memory_space<vmem>>[vector<16xi32>, vector<16xi32>], vector<16xf32>,
        tpu.vector_store_idx %arg10[%add3A_192, %add3A_11], %gather3A_198 : memref<64x128xf32, #tpu.memory_space<vmem>>[vector<16xi32>, vector<16xi32>], vector<16xf32>,
        %add3A_199 = arith.addi %add3A_192, %get3A_67 : vector<16xi32>
        %gather3A_200 = tpu.vector_load_idx %arg8[%add3A_14, %add3A_199] : memref<128x128xf32, #tpu.memory_space<vmem>>[vector<16xi32>, vector<16xi32>], vector<16xf32>,
        tpu.vector_store_idx %arg10[%add3A_192, %add3A_14], %gather3A_200 : memref<64x128xf32, #tpu.memory_space<vmem>>[vector<16xi32>, vector<16xi32>], vector<16xf32>,
        %add3A_201 = arith.addi %add3A_192, %get3A_70 : vector<16xi32>
        %gather3A_202 = tpu.vector_load_idx %arg8[%add3A_17, %add3A_201] : memref<128x128xf32, #tpu.memory_space<vmem>>[vector<16xi32>, vector<16xi32>], vector<16xf32>,
        tpu.vector_store_idx %arg10[%add3A_192, %add3A_17], %gather3A_202 : memref<64x128xf32, #tpu.memory_space<vmem>>[vector<16xi32>, vector<16xi32>], vector<16xf32>,
        %add3A_203 = arith.addi %add3A_192, %get3A_73 : vector<16xi32>
        %gather3A_204 = tpu.vector_load_idx %arg8[%add3A_20, %add3A_203] : memref<128x128xf32, #tpu.memory_space<vmem>>[vector<16xi32>, vector<16xi32>], vector<16xf32>,
        tpu.vector_store_idx %arg10[%add3A_192, %add3A_20], %gather3A_204 : memref<64x128xf32, #tpu.memory_space<vmem>>[vector<16xi32>, vector<16xi32>], vector<16xf32>,
        %add3A_205 = arith.addi %add3A_192, %get3A_76 : vector<16xi32>
        %gather3A_206 = tpu.vector_load_idx %arg8[%add3A_23, %add3A_205] : memref<128x128xf32, #tpu.memory_space<vmem>>[vector<16xi32>, vector<16xi32>], vector<16xf32>,
        tpu.vector_store_idx %arg10[%add3A_192, %add3A_23], %gather3A_206 : memref<64x128xf32, #tpu.memory_space<vmem>>[vector<16xi32>, vector<16xi32>], vector<16xf32>,
        %add3A_207 = arith.addi %add3A_192, %get3A_79 : vector<16xi32>
        %gather3A_208 = tpu.vector_load_idx %arg8[%add3A_26, %add3A_207] : memref<128x128xf32, #tpu.memory_space<vmem>>[vector<16xi32>, vector<16xi32>], vector<16xf32>,
        tpu.vector_store_idx %arg10[%add3A_192, %add3A_26], %gather3A_208 : memref<64x128xf32, #tpu.memory_space<vmem>>[vector<16xi32>, vector<16xi32>], vector<16xf32>,
        %add3A_209 = arith.constant 48 : i32
        %add3A_210 = vector.broadcast %add3A_209 : i32 to vector<16xi32>
        %add3A_211 = arith.addi %and3A_152, %add3A_210 : vector<16xi32>
        %add3A_212 = arith.addi %add3A_211, %get3A_58 : vector<16xi32>
        %gather3A_213 = tpu.vector_load_idx %arg8[%add3A_5, %add3A_212] : memref<128x128xf32, #tpu.memory_space<vmem>>[vector<16xi32>, vector<16xi32>], vector<16xf32>,
        tpu.vector_store_idx %arg10[%add3A_211, %add3A_5], %gather3A_213 : memref<64x128xf32, #tpu.memory_space<vmem>>[vector<16xi32>, vector<16xi32>], vector<16xf32>,
        %add3A_214 = arith.addi %add3A_211, %get3A_61 : vector<16xi32>
        %gather3A_215 = tpu.vector_load_idx %arg8[%add3A_8, %add3A_214] : memref<128x128xf32, #tpu.memory_space<vmem>>[vector<16xi32>, vector<16xi32>], vector<16xf32>,
        tpu.vector_store_idx %arg10[%add3A_211, %add3A_8], %gather3A_215 : memref<64x128xf32, #tpu.memory_space<vmem>>[vector<16xi32>, vector<16xi32>], vector<16xf32>,
        %add3A_216 = arith.addi %add3A_211, %get3A_64 : vector<16xi32>
        %gather3A_217 = tpu.vector_load_idx %arg8[%add3A_11, %add3A_216] : memref<128x128xf32, #tpu.memory_space<vmem>>[vector<16xi32>, vector<16xi32>], vector<16xf32>,
        tpu.vector_store_idx %arg10[%add3A_211, %add3A_11], %gather3A_217 : memref<64x128xf32, #tpu.memory_space<vmem>>[vector<16xi32>, vector<16xi32>], vector<16xf32>,
        %add3A_218 = arith.addi %add3A_211, %get3A_67 : vector<16xi32>
        %gather3A_219 = tpu.vector_load_idx %arg8[%add3A_14, %add3A_218] : memref<128x128xf32, #tpu.memory_space<vmem>>[vector<16xi32>, vector<16xi32>], vector<16xf32>,
        tpu.vector_store_idx %arg10[%add3A_211, %add3A_14], %gather3A_219 : memref<64x128xf32, #tpu.memory_space<vmem>>[vector<16xi32>, vector<16xi32>], vector<16xf32>,
        %add3A_220 = arith.addi %add3A_211, %get3A_70 : vector<16xi32>
        %gather3A_221 = tpu.vector_load_idx %arg8[%add3A_17, %add3A_220] : memref<128x128xf32, #tpu.memory_space<vmem>>[vector<16xi32>, vector<16xi32>], vector<16xf32>,
        tpu.vector_store_idx %arg10[%add3A_211, %add3A_17], %gather3A_221 : memref<64x128xf32, #tpu.memory_space<vmem>>[vector<16xi32>, vector<16xi32>], vector<16xf32>,
        %add3A_222 = arith.addi %add3A_211, %get3A_73 : vector<16xi32>
        %gather3A_223 = tpu.vector_load_idx %arg8[%add3A_20, %add3A_222] : memref<128x128xf32, #tpu.memory_space<vmem>>[vector<16xi32>, vector<16xi32>], vector<16xf32>,
        tpu.vector_store_idx %arg10[%add3A_211, %add3A_20], %gather3A_223 : memref<64x128xf32, #tpu.memory_space<vmem>>[vector<16xi32>, vector<16xi32>], vector<16xf32>,
        %add3A_224 = arith.addi %add3A_211, %get3A_76 : vector<16xi32>
        %gather3A_225 = tpu.vector_load_idx %arg8[%add3A_23, %add3A_224] : memref<128x128xf32, #tpu.memory_space<vmem>>[vector<16xi32>, vector<16xi32>], vector<16xf32>,
        tpu.vector_store_idx %arg10[%add3A_211, %add3A_23], %gather3A_225 : memref<64x128xf32, #tpu.memory_space<vmem>>[vector<16xi32>, vector<16xi32>], vector<16xf32>,
        %add3A_226 = arith.addi %add3A_211, %get3A_79 : vector<16xi32>
        %gather3A_227 = tpu.vector_load_idx %arg8[%add3A_26, %add3A_226] : memref<128x128xf32, #tpu.memory_space<vmem>>[vector<16xi32>, vector<16xi32>], vector<16xf32>,
        tpu.vector_store_idx %arg10[%add3A_211, %add3A_26], %gather3A_227 : memref<64x128xf32, #tpu.memory_space<vmem>>[vector<16xi32>, vector<16xi32>], vector<16xf32>,
      }
      %scan3A_84 = arith.constant 16 : i32
      %add3A_85 = arith.addi %mul3A_2, %mul3A_43 : i32
      %div3A = arith.constant 128 : i32
      %div3A_86 = arith.divsi %add3A_85, %div3A : i32
      %rem3A = arith.constant 128 : i32
      %rem3A_87 = arith.remsi %add3A_85, %rem3A : i32
      %mul3A_88 = arith.constant 64 : i32
      %mul3A_89 = arith.muli %div3A_86, %mul3A_88 : i32
      %mul3A_90 = arith.constant 128 : i32
      %mul3A_91 = arith.muli %rem3A_87, %mul3A_90 : i32
      "tpu.region"() ({
        %run_scoped3A = tpu.sem_alloc : memref<!tpu.dma_semaphore, #tpu.memory_space<semaphore_mem>>
        %dma_start3A_144 = tpu.memref_slice %arg5[%mul3A_89, %mul3A_91] : memref<1280x16384xf32, #tpu.memory_space<hbm>> -> memref<64x128xf32, #tpu.memory_space<hbm>>
        %dma_start3A_145 = tpu.memref_slice %arg5[%mul3A_89, %mul3A_91] : memref<1280x16384xf32, #tpu.memory_space<hbm>> -> memref<64x128xf32, #tpu.memory_space<hbm>>
        tpu.enqueue_dma source(%arg10 : memref<64x128xf32, #tpu.memory_space<vmem>>) target(%dma_start3A_145 : memref<64x128xf32, #tpu.memory_space<hbm>>) target_semaphore(%run_scoped3A : memref<!tpu.dma_semaphore, #tpu.memory_space<semaphore_mem>>)
        %dma_wait3A_146 = tpu.memref_slice %arg5[%mul3A_89, %mul3A_91] : memref<1280x16384xf32, #tpu.memory_space<hbm>> -> memref<64x128xf32, #tpu.memory_space<hbm>>
        %dma_wait3A_147 = tpu.memref_slice %arg5[%mul3A_89, %mul3A_91] : memref<1280x16384xf32, #tpu.memory_space<hbm>> -> memref<64x128xf32, #tpu.memory_space<hbm>>
        tpu.wait_dma2 semaphore(%run_scoped3A : memref<!tpu.dma_semaphore, #tpu.memory_space<semaphore_mem>>) src(%arg10 : memref<64x128xf32, #tpu.memory_space<vmem>>) dst(%dma_wait3A_147 : memref<64x128xf32, #tpu.memory_space<hbm>>)
        tpu.yield
      }) : () -> ()
      %add3A_92 = arith.constant 2 : i32
      %add3A_93 = arith.addi %mul3A_43, %add3A_92 : i32
      %lt3A = arith.constant 80 : i32
      %lt3A_94 = arith.cmpi slt, %add3A_93, %lt3A : i32
      %convert_element_type3A = arith.extui %lt3A_94 : i1 to i32
      %cond3A = arith.constant 0 : i32
      %cond3A_95 = arith.cmpi ne, %convert_element_type3A, %cond3A : i32
      scf.if %cond3A_95 {
        %add3A_144 = arith.constant 2 : i32
        %add3A_145 = arith.addi %mul3A_43, %add3A_144 : i32
        %dma_start3A_146 = arith.constant 0 : i32
        %dma_start3A_147 = tpu.memref_slice %arg6[%add3A_145, %dma_start3A_146] : memref<80x128xi32, #tpu.memory_space<vmem>> -> memref<1x128xi32, #tpu.memory_space<vmem>>
        %dma_start3A_148 = tpu.memref_squeeze %dma_start3A_147 : memref<1x128xi32, #tpu.memory_space<vmem>> -> memref<128xi32, #tpu.memory_space<vmem>>
        %dma_start3A_149 = arith.constant 0 : i32
        %dma_start3A_150 = arith.constant 0 : i32
        %dma_start3A_151 = tpu.memref_slice %arg2[%dma_start3A_149, %dma_start3A_150] : memref<524288x128xf32, #tpu.memory_space<hbm>> -> memref<524288x128xf32, #tpu.memory_space<hbm>>
        tpu.enqueue_indirect_dma source(%dma_start3A_151 : memref<524288x128xf32, #tpu.memory_space<hbm>>) target(%arg8 : memref<128x128xf32, #tpu.memory_space<vmem>>) offsets(%dma_start3A_148 : memref<128xi32, #tpu.memory_space<vmem>>) semaphore(%arg11 : memref<!tpu.dma_semaphore, #tpu.memory_space<semaphore_mem>>)
      } else {
      }
      %add3A_96 = arith.constant 1 : i32
      %add3A_97 = arith.addi %mul3A_43, %add3A_96 : i32
      %dma_wait3A_98 = arith.constant 0 : i32
      %dma_wait3A_99 = tpu.memref_slice %arg6[%add3A_97, %dma_wait3A_98] : memref<80x128xi32, #tpu.memory_space<vmem>> -> memref<1x128xi32, #tpu.memory_space<vmem>>
      %dma_wait3A_100 = tpu.memref_squeeze %dma_wait3A_99 : memref<1x128xi32, #tpu.memory_space<vmem>> -> memref<128xi32, #tpu.memory_space<vmem>>
      %dma_wait3A_101 = arith.constant 0 : i32
      %dma_wait3A_102 = arith.constant 0 : i32
      %dma_wait3A_103 = tpu.memref_slice %arg2[%dma_wait3A_101, %dma_wait3A_102] : memref<524288x128xf32, #tpu.memory_space<hbm>> -> memref<524288x128xf32, #tpu.memory_space<hbm>>
      tpu.wait_indirect_dma semaphore(%arg11 : memref<!tpu.dma_semaphore, #tpu.memory_space<semaphore_mem>>) src(%dma_wait3A_103 : memref<524288x128xf32, #tpu.memory_space<hbm>>) dst(%arg9 : memref<128x128xf32, #tpu.memory_space<vmem>>)
      %add3A_104 = arith.constant 1 : i32
      %add3A_105 = arith.addi %mul3A_43, %add3A_104 : i32
      %get3A_106 = arith.index_cast %add3A_105 : i32 to index
      %get3A_107 = arith.constant 0 : index
      %get3A_108 = tpu.vector_load %arg7[%get3A_106, %get3A_107] {strides = array<i32>} : memref<80x128xi32, #tpu.memory_space<vmem>>, vector<16xi32>,
      %get3A_109 = arith.index_cast %add3A_105 : i32 to index
      %get3A_110 = arith.constant 16 : index
      %get3A_111 = tpu.vector_load %arg7[%get3A_109, %get3A_110] {strides = array<i32>} : memref<80x128xi32, #tpu.memory_space<vmem>>, vector<16xi32>,
      %get3A_112 = arith.index_cast %add3A_105 : i32 to index
      %get3A_113 = arith.constant 32 : index
      %get3A_114 = tpu.vector_load %arg7[%get3A_112, %get3A_113] {strides = array<i32>} : memref<80x128xi32, #tpu.memory_space<vmem>>, vector<16xi32>,
      %get3A_115 = arith.index_cast %add3A_105 : i32 to index
      %get3A_116 = arith.constant 48 : index
      %get3A_117 = tpu.vector_load %arg7[%get3A_115, %get3A_116] {strides = array<i32>} : memref<80x128xi32, #tpu.memory_space<vmem>>, vector<16xi32>,
      %get3A_118 = arith.index_cast %add3A_105 : i32 to index
      %get3A_119 = arith.constant 64 : index
      %get3A_120 = tpu.vector_load %arg7[%get3A_118, %get3A_119] {strides = array<i32>} : memref<80x128xi32, #tpu.memory_space<vmem>>, vector<16xi32>,
      %get3A_121 = arith.index_cast %add3A_105 : i32 to index
      %get3A_122 = arith.constant 80 : index
      %get3A_123 = tpu.vector_load %arg7[%get3A_121, %get3A_122] {strides = array<i32>} : memref<80x128xi32, #tpu.memory_space<vmem>>, vector<16xi32>,
      %get3A_124 = arith.index_cast %add3A_105 : i32 to index
      %get3A_125 = arith.constant 96 : index
      %get3A_126 = tpu.vector_load %arg7[%get3A_124, %get3A_125] {strides = array<i32>} : memref<80x128xi32, #tpu.memory_space<vmem>>, vector<16xi32>,
      %get3A_127 = arith.index_cast %add3A_105 : i32 to index
      %get3A_128 = arith.constant 112 : index
      %get3A_129 = tpu.vector_load %arg7[%get3A_127, %get3A_128] {strides = array<i32>} : memref<80x128xi32, #tpu.memory_space<vmem>>, vector<16xi32>,
      %scan3A_130 = arith.constant 0 : i32
      %scan3A_131 = arith.constant 16 : i32
      %scan3A_132 = arith.addi %scan3A_130, %scan3A_131 : i32
      %scan3A_133 = arith.constant 1 : i32
      scf.for %scan3A_144 = %scan3A_130 to %scan3A_132 step %scan3A_133  : i32 {
        %mul3A_145 = arith.constant 1 : i32
        %mul3A_146 = arith.muli %scan3A_144, %mul3A_145 : i32
        %add3A_147 = arith.constant 0 : i32
        %add3A_148 = arith.addi %add3A_147, %mul3A_146 : i32
        %add3A_149 = vector.broadcast %add3A_148 : i32 to vector<16xi32>
        %add3A_150 = arith.addi %iota3A, %add3A_149 : vector<16xi32>
        %and3A = arith.constant 15 : i32
        %and3A_151 = vector.broadcast %and3A : i32 to vector<16xi32>
        %and3A_152 = arith.andi %add3A_150, %and3A_151 : vector<16xi32>
        %add3A_153 = arith.constant 0 : i32
        %add3A_154 = vector.broadcast %add3A_153 : i32 to vector<16xi32>
        %add3A_155 = arith.addi %and3A_152, %add3A_154 : vector<16xi32>
        %add3A_156 = arith.addi %add3A_155, %get3A_108 : vector<16xi32>
        %gather3A = tpu.vector_load_idx %arg9[%add3A_5, %add3A_156] : memref<128x128xf32, #tpu.memory_space<vmem>>[vector<16xi32>, vector<16xi32>], vector<16xf32>,
        tpu.vector_store_idx %arg10[%add3A_155, %add3A_5], %gather3A : memref<64x128xf32, #tpu.memory_space<vmem>>[vector<16xi32>, vector<16xi32>], vector<16xf32>,
        %add3A_157 = arith.addi %add3A_155, %get3A_111 : vector<16xi32>
        %gather3A_158 = tpu.vector_load_idx %arg9[%add3A_8, %add3A_157] : memref<128x128xf32, #tpu.memory_space<vmem>>[vector<16xi32>, vector<16xi32>], vector<16xf32>,
        tpu.vector_store_idx %arg10[%add3A_155, %add3A_8], %gather3A_158 : memref<64x128xf32, #tpu.memory_space<vmem>>[vector<16xi32>, vector<16xi32>], vector<16xf32>,
        %add3A_159 = arith.addi %add3A_155, %get3A_114 : vector<16xi32>
        %gather3A_160 = tpu.vector_load_idx %arg9[%add3A_11, %add3A_159] : memref<128x128xf32, #tpu.memory_space<vmem>>[vector<16xi32>, vector<16xi32>], vector<16xf32>,
        tpu.vector_store_idx %arg10[%add3A_155, %add3A_11], %gather3A_160 : memref<64x128xf32, #tpu.memory_space<vmem>>[vector<16xi32>, vector<16xi32>], vector<16xf32>,
        %add3A_161 = arith.addi %add3A_155, %get3A_117 : vector<16xi32>
        %gather3A_162 = tpu.vector_load_idx %arg9[%add3A_14, %add3A_161] : memref<128x128xf32, #tpu.memory_space<vmem>>[vector<16xi32>, vector<16xi32>], vector<16xf32>,
        tpu.vector_store_idx %arg10[%add3A_155, %add3A_14], %gather3A_162 : memref<64x128xf32, #tpu.memory_space<vmem>>[vector<16xi32>, vector<16xi32>], vector<16xf32>,
        %add3A_163 = arith.addi %add3A_155, %get3A_120 : vector<16xi32>
        %gather3A_164 = tpu.vector_load_idx %arg9[%add3A_17, %add3A_163] : memref<128x128xf32, #tpu.memory_space<vmem>>[vector<16xi32>, vector<16xi32>], vector<16xf32>,
        tpu.vector_store_idx %arg10[%add3A_155, %add3A_17], %gather3A_164 : memref<64x128xf32, #tpu.memory_space<vmem>>[vector<16xi32>, vector<16xi32>], vector<16xf32>,
        %add3A_165 = arith.addi %add3A_155, %get3A_123 : vector<16xi32>
        %gather3A_166 = tpu.vector_load_idx %arg9[%add3A_20, %add3A_165] : memref<128x128xf32, #tpu.memory_space<vmem>>[vector<16xi32>, vector<16xi32>], vector<16xf32>,
        tpu.vector_store_idx %arg10[%add3A_155, %add3A_20], %gather3A_166 : memref<64x128xf32, #tpu.memory_space<vmem>>[vector<16xi32>, vector<16xi32>], vector<16xf32>,
        %add3A_167 = arith.addi %add3A_155, %get3A_126 : vector<16xi32>
        %gather3A_168 = tpu.vector_load_idx %arg9[%add3A_23, %add3A_167] : memref<128x128xf32, #tpu.memory_space<vmem>>[vector<16xi32>, vector<16xi32>], vector<16xf32>,
        tpu.vector_store_idx %arg10[%add3A_155, %add3A_23], %gather3A_168 : memref<64x128xf32, #tpu.memory_space<vmem>>[vector<16xi32>, vector<16xi32>], vector<16xf32>,
        %add3A_169 = arith.addi %add3A_155, %get3A_129 : vector<16xi32>
        %gather3A_170 = tpu.vector_load_idx %arg9[%add3A_26, %add3A_169] : memref<128x128xf32, #tpu.memory_space<vmem>>[vector<16xi32>, vector<16xi32>], vector<16xf32>,
        tpu.vector_store_idx %arg10[%add3A_155, %add3A_26], %gather3A_170 : memref<64x128xf32, #tpu.memory_space<vmem>>[vector<16xi32>, vector<16xi32>], vector<16xf32>,
        %add3A_171 = arith.constant 16 : i32
        %add3A_172 = vector.broadcast %add3A_171 : i32 to vector<16xi32>
        %add3A_173 = arith.addi %and3A_152, %add3A_172 : vector<16xi32>
        %add3A_174 = arith.addi %add3A_173, %get3A_108 : vector<16xi32>
        %gather3A_175 = tpu.vector_load_idx %arg9[%add3A_5, %add3A_174] : memref<128x128xf32, #tpu.memory_space<vmem>>[vector<16xi32>, vector<16xi32>], vector<16xf32>,
        tpu.vector_store_idx %arg10[%add3A_173, %add3A_5], %gather3A_175 : memref<64x128xf32, #tpu.memory_space<vmem>>[vector<16xi32>, vector<16xi32>], vector<16xf32>,
        %add3A_176 = arith.addi %add3A_173, %get3A_111 : vector<16xi32>
        %gather3A_177 = tpu.vector_load_idx %arg9[%add3A_8, %add3A_176] : memref<128x128xf32, #tpu.memory_space<vmem>>[vector<16xi32>, vector<16xi32>], vector<16xf32>,
        tpu.vector_store_idx %arg10[%add3A_173, %add3A_8], %gather3A_177 : memref<64x128xf32, #tpu.memory_space<vmem>>[vector<16xi32>, vector<16xi32>], vector<16xf32>,
        %add3A_178 = arith.addi %add3A_173, %get3A_114 : vector<16xi32>
        %gather3A_179 = tpu.vector_load_idx %arg9[%add3A_11, %add3A_178] : memref<128x128xf32, #tpu.memory_space<vmem>>[vector<16xi32>, vector<16xi32>], vector<16xf32>,
        tpu.vector_store_idx %arg10[%add3A_173, %add3A_11], %gather3A_179 : memref<64x128xf32, #tpu.memory_space<vmem>>[vector<16xi32>, vector<16xi32>], vector<16xf32>,
        %add3A_180 = arith.addi %add3A_173, %get3A_117 : vector<16xi32>
        %gather3A_181 = tpu.vector_load_idx %arg9[%add3A_14, %add3A_180] : memref<128x128xf32, #tpu.memory_space<vmem>>[vector<16xi32>, vector<16xi32>], vector<16xf32>,
        tpu.vector_store_idx %arg10[%add3A_173, %add3A_14], %gather3A_181 : memref<64x128xf32, #tpu.memory_space<vmem>>[vector<16xi32>, vector<16xi32>], vector<16xf32>,
        %add3A_182 = arith.addi %add3A_173, %get3A_120 : vector<16xi32>
        %gather3A_183 = tpu.vector_load_idx %arg9[%add3A_17, %add3A_182] : memref<128x128xf32, #tpu.memory_space<vmem>>[vector<16xi32>, vector<16xi32>], vector<16xf32>,
        tpu.vector_store_idx %arg10[%add3A_173, %add3A_17], %gather3A_183 : memref<64x128xf32, #tpu.memory_space<vmem>>[vector<16xi32>, vector<16xi32>], vector<16xf32>,
        %add3A_184 = arith.addi %add3A_173, %get3A_123 : vector<16xi32>
        %gather3A_185 = tpu.vector_load_idx %arg9[%add3A_20, %add3A_184] : memref<128x128xf32, #tpu.memory_space<vmem>>[vector<16xi32>, vector<16xi32>], vector<16xf32>,
        tpu.vector_store_idx %arg10[%add3A_173, %add3A_20], %gather3A_185 : memref<64x128xf32, #tpu.memory_space<vmem>>[vector<16xi32>, vector<16xi32>], vector<16xf32>,
        %add3A_186 = arith.addi %add3A_173, %get3A_126 : vector<16xi32>
        %gather3A_187 = tpu.vector_load_idx %arg9[%add3A_23, %add3A_186] : memref<128x128xf32, #tpu.memory_space<vmem>>[vector<16xi32>, vector<16xi32>], vector<16xf32>,
        tpu.vector_store_idx %arg10[%add3A_173, %add3A_23], %gather3A_187 : memref<64x128xf32, #tpu.memory_space<vmem>>[vector<16xi32>, vector<16xi32>], vector<16xf32>,
        %add3A_188 = arith.addi %add3A_173, %get3A_129 : vector<16xi32>
        %gather3A_189 = tpu.vector_load_idx %arg9[%add3A_26, %add3A_188] : memref<128x128xf32, #tpu.memory_space<vmem>>[vector<16xi32>, vector<16xi32>], vector<16xf32>,
        tpu.vector_store_idx %arg10[%add3A_173, %add3A_26], %gather3A_189 : memref<64x128xf32, #tpu.memory_space<vmem>>[vector<16xi32>, vector<16xi32>], vector<16xf32>,
        %add3A_190 = arith.constant 32 : i32
        %add3A_191 = vector.broadcast %add3A_190 : i32 to vector<16xi32>
        %add3A_192 = arith.addi %and3A_152, %add3A_191 : vector<16xi32>
        %add3A_193 = arith.addi %add3A_192, %get3A_108 : vector<16xi32>
        %gather3A_194 = tpu.vector_load_idx %arg9[%add3A_5, %add3A_193] : memref<128x128xf32, #tpu.memory_space<vmem>>[vector<16xi32>, vector<16xi32>], vector<16xf32>,
        tpu.vector_store_idx %arg10[%add3A_192, %add3A_5], %gather3A_194 : memref<64x128xf32, #tpu.memory_space<vmem>>[vector<16xi32>, vector<16xi32>], vector<16xf32>,
        %add3A_195 = arith.addi %add3A_192, %get3A_111 : vector<16xi32>
        %gather3A_196 = tpu.vector_load_idx %arg9[%add3A_8, %add3A_195] : memref<128x128xf32, #tpu.memory_space<vmem>>[vector<16xi32>, vector<16xi32>], vector<16xf32>,
        tpu.vector_store_idx %arg10[%add3A_192, %add3A_8], %gather3A_196 : memref<64x128xf32, #tpu.memory_space<vmem>>[vector<16xi32>, vector<16xi32>], vector<16xf32>,
        %add3A_197 = arith.addi %add3A_192, %get3A_114 : vector<16xi32>
        %gather3A_198 = tpu.vector_load_idx %arg9[%add3A_11, %add3A_197] : memref<128x128xf32, #tpu.memory_space<vmem>>[vector<16xi32>, vector<16xi32>], vector<16xf32>,
        tpu.vector_store_idx %arg10[%add3A_192, %add3A_11], %gather3A_198 : memref<64x128xf32, #tpu.memory_space<vmem>>[vector<16xi32>, vector<16xi32>], vector<16xf32>,
        %add3A_199 = arith.addi %add3A_192, %get3A_117 : vector<16xi32>
        %gather3A_200 = tpu.vector_load_idx %arg9[%add3A_14, %add3A_199] : memref<128x128xf32, #tpu.memory_space<vmem>>[vector<16xi32>, vector<16xi32>], vector<16xf32>,
        tpu.vector_store_idx %arg10[%add3A_192, %add3A_14], %gather3A_200 : memref<64x128xf32, #tpu.memory_space<vmem>>[vector<16xi32>, vector<16xi32>], vector<16xf32>,
        %add3A_201 = arith.addi %add3A_192, %get3A_120 : vector<16xi32>
        %gather3A_202 = tpu.vector_load_idx %arg9[%add3A_17, %add3A_201] : memref<128x128xf32, #tpu.memory_space<vmem>>[vector<16xi32>, vector<16xi32>], vector<16xf32>,
        tpu.vector_store_idx %arg10[%add3A_192, %add3A_17], %gather3A_202 : memref<64x128xf32, #tpu.memory_space<vmem>>[vector<16xi32>, vector<16xi32>], vector<16xf32>,
        %add3A_203 = arith.addi %add3A_192, %get3A_123 : vector<16xi32>
        %gather3A_204 = tpu.vector_load_idx %arg9[%add3A_20, %add3A_203] : memref<128x128xf32, #tpu.memory_space<vmem>>[vector<16xi32>, vector<16xi32>], vector<16xf32>,
        tpu.vector_store_idx %arg10[%add3A_192, %add3A_20], %gather3A_204 : memref<64x128xf32, #tpu.memory_space<vmem>>[vector<16xi32>, vector<16xi32>], vector<16xf32>,
        %add3A_205 = arith.addi %add3A_192, %get3A_126 : vector<16xi32>
        %gather3A_206 = tpu.vector_load_idx %arg9[%add3A_23, %add3A_205] : memref<128x128xf32, #tpu.memory_space<vmem>>[vector<16xi32>, vector<16xi32>], vector<16xf32>,
        tpu.vector_store_idx %arg10[%add3A_192, %add3A_23], %gather3A_206 : memref<64x128xf32, #tpu.memory_space<vmem>>[vector<16xi32>, vector<16xi32>], vector<16xf32>,
        %add3A_207 = arith.addi %add3A_192, %get3A_129 : vector<16xi32>
        %gather3A_208 = tpu.vector_load_idx %arg9[%add3A_26, %add3A_207] : memref<128x128xf32, #tpu.memory_space<vmem>>[vector<16xi32>, vector<16xi32>], vector<16xf32>,
        tpu.vector_store_idx %arg10[%add3A_192, %add3A_26], %gather3A_208 : memref<64x128xf32, #tpu.memory_space<vmem>>[vector<16xi32>, vector<16xi32>], vector<16xf32>,
        %add3A_209 = arith.constant 48 : i32
        %add3A_210 = vector.broadcast %add3A_209 : i32 to vector<16xi32>
        %add3A_211 = arith.addi %and3A_152, %add3A_210 : vector<16xi32>
        %add3A_212 = arith.addi %add3A_211, %get3A_108 : vector<16xi32>
        %gather3A_213 = tpu.vector_load_idx %arg9[%add3A_5, %add3A_212] : memref<128x128xf32, #tpu.memory_space<vmem>>[vector<16xi32>, vector<16xi32>], vector<16xf32>,
        tpu.vector_store_idx %arg10[%add3A_211, %add3A_5], %gather3A_213 : memref<64x128xf32, #tpu.memory_space<vmem>>[vector<16xi32>, vector<16xi32>], vector<16xf32>,
        %add3A_214 = arith.addi %add3A_211, %get3A_111 : vector<16xi32>
        %gather3A_215 = tpu.vector_load_idx %arg9[%add3A_8, %add3A_214] : memref<128x128xf32, #tpu.memory_space<vmem>>[vector<16xi32>, vector<16xi32>], vector<16xf32>,
        tpu.vector_store_idx %arg10[%add3A_211, %add3A_8], %gather3A_215 : memref<64x128xf32, #tpu.memory_space<vmem>>[vector<16xi32>, vector<16xi32>], vector<16xf32>,
        %add3A_216 = arith.addi %add3A_211, %get3A_114 : vector<16xi32>
        %gather3A_217 = tpu.vector_load_idx %arg9[%add3A_11, %add3A_216] : memref<128x128xf32, #tpu.memory_space<vmem>>[vector<16xi32>, vector<16xi32>], vector<16xf32>,
        tpu.vector_store_idx %arg10[%add3A_211, %add3A_11], %gather3A_217 : memref<64x128xf32, #tpu.memory_space<vmem>>[vector<16xi32>, vector<16xi32>], vector<16xf32>,
        %add3A_218 = arith.addi %add3A_211, %get3A_117 : vector<16xi32>
        %gather3A_219 = tpu.vector_load_idx %arg9[%add3A_14, %add3A_218] : memref<128x128xf32, #tpu.memory_space<vmem>>[vector<16xi32>, vector<16xi32>], vector<16xf32>,
        tpu.vector_store_idx %arg10[%add3A_211, %add3A_14], %gather3A_219 : memref<64x128xf32, #tpu.memory_space<vmem>>[vector<16xi32>, vector<16xi32>], vector<16xf32>,
        %add3A_220 = arith.addi %add3A_211, %get3A_120 : vector<16xi32>
        %gather3A_221 = tpu.vector_load_idx %arg9[%add3A_17, %add3A_220] : memref<128x128xf32, #tpu.memory_space<vmem>>[vector<16xi32>, vector<16xi32>], vector<16xf32>,
        tpu.vector_store_idx %arg10[%add3A_211, %add3A_17], %gather3A_221 : memref<64x128xf32, #tpu.memory_space<vmem>>[vector<16xi32>, vector<16xi32>], vector<16xf32>,
        %add3A_222 = arith.addi %add3A_211, %get3A_123 : vector<16xi32>
        %gather3A_223 = tpu.vector_load_idx %arg9[%add3A_20, %add3A_222] : memref<128x128xf32, #tpu.memory_space<vmem>>[vector<16xi32>, vector<16xi32>], vector<16xf32>,
        tpu.vector_store_idx %arg10[%add3A_211, %add3A_20], %gather3A_223 : memref<64x128xf32, #tpu.memory_space<vmem>>[vector<16xi32>, vector<16xi32>], vector<16xf32>,
        %add3A_224 = arith.addi %add3A_211, %get3A_126 : vector<16xi32>
        %gather3A_225 = tpu.vector_load_idx %arg9[%add3A_23, %add3A_224] : memref<128x128xf32, #tpu.memory_space<vmem>>[vector<16xi32>, vector<16xi32>], vector<16xf32>,
        tpu.vector_store_idx %arg10[%add3A_211, %add3A_23], %gather3A_225 : memref<64x128xf32, #tpu.memory_space<vmem>>[vector<16xi32>, vector<16xi32>], vector<16xf32>,
        %add3A_226 = arith.addi %add3A_211, %get3A_129 : vector<16xi32>
        %gather3A_227 = tpu.vector_load_idx %arg9[%add3A_26, %add3A_226] : memref<128x128xf32, #tpu.memory_space<vmem>>[vector<16xi32>, vector<16xi32>], vector<16xf32>,
        tpu.vector_store_idx %arg10[%add3A_211, %add3A_26], %gather3A_227 : memref<64x128xf32, #tpu.memory_space<vmem>>[vector<16xi32>, vector<16xi32>], vector<16xf32>,
      }
      %scan3A_134 = arith.constant 16 : i32
      %add3A_135 = arith.addi %mul3A_2, %add3A_105 : i32
      %div3A_136 = arith.constant 128 : i32
      %div3A_137 = arith.divsi %add3A_135, %div3A_136 : i32
      %rem3A_138 = arith.constant 128 : i32
      %rem3A_139 = arith.remsi %add3A_135, %rem3A_138 : i32
      %mul3A_140 = arith.constant 64 : i32
      %mul3A_141 = arith.muli %div3A_137, %mul3A_140 : i32
      %mul3A_142 = arith.constant 128 : i32
      %mul3A_143 = arith.muli %rem3A_139, %mul3A_142 : i32
      "tpu.region"() ({
        %run_scoped3A = tpu.sem_alloc : memref<!tpu.dma_semaphore, #tpu.memory_space<semaphore_mem>>
        %dma_start3A_144 = tpu.memref_slice %arg5[%mul3A_141, %mul3A_143] : memref<1280x16384xf32, #tpu.memory_space<hbm>> -> memref<64x128xf32, #tpu.memory_space<hbm>>
        %dma_start3A_145 = tpu.memref_slice %arg5[%mul3A_141, %mul3A_143] : memref<1280x16384xf32, #tpu.memory_space<hbm>> -> memref<64x128xf32, #tpu.memory_space<hbm>>
        tpu.enqueue_dma source(%arg10 : memref<64x128xf32, #tpu.memory_space<vmem>>) target(%dma_start3A_145 : memref<64x128xf32, #tpu.memory_space<hbm>>) target_semaphore(%run_scoped3A : memref<!tpu.dma_semaphore, #tpu.memory_space<semaphore_mem>>)
        %dma_wait3A_146 = tpu.memref_slice %arg5[%mul3A_141, %mul3A_143] : memref<1280x16384xf32, #tpu.memory_space<hbm>> -> memref<64x128xf32, #tpu.memory_space<hbm>>
        %dma_wait3A_147 = tpu.memref_slice %arg5[%mul3A_141, %mul3A_143] : memref<1280x16384xf32, #tpu.memory_space<hbm>> -> memref<64x128xf32, #tpu.memory_space<hbm>>
        tpu.wait_dma2 semaphore(%run_scoped3A : memref<!tpu.dma_semaphore, #tpu.memory_space<semaphore_mem>>) src(%arg10 : memref<64x128xf32, #tpu.memory_space<vmem>>) dst(%dma_wait3A_147 : memref<64x128xf32, #tpu.memory_space<hbm>>)
        tpu.yield
      }) : () -> ()
    }
    %scan3A_36 = arith.constant 40 : i32
    return
  }
}

module attributes {stable_mosaic.version = 14 : i64} {
  func.func @body(%arg0: i32, %arg1: memref<64x2048xf32, #tpu.memory_space<vmem>>, %arg2: memref<64x2048xf32, #tpu.memory_space<vmem>>, %arg3: memref<2048x128xf32, #tpu.memory_space<vmem>>) attributes {dimension_semantics = [#tpu.dimension_semantics<arbitrary>], iteration_bounds = array<i64: 256>, scalar_prefetch = 0 : i64, scratch_operands = 0 : i64, tpu.core_type = #tpu.core_type<tc>, window_params = [{transform_indices = @transform_0, window_bounds = array<i64: 64, 2048>}, {transform_indices = @transform_1, window_bounds = array<i64: 64, 2048>}, {transform_indices = @transform_2, window_bounds = array<i64: 2048, 128>}]} {
    %get3A = arith.constant 0 : index
    %get3A_0 = arith.constant 0 : index
    %get3A_1 = vector.load %arg1[%get3A, %get3A_0] : memref<64x2048xf32, #tpu.memory_space<vmem>>, vector<64x2048xf32>
    %transpose3A = tpu.transpose %get3A_1, [1, 0] : vector<64x2048xf32> -> vector<2048x64xf32>
    %swap3A = arith.constant 0 : index
    %swap3A_2 = arith.constant 0 : index
    %swap3A_3 = vector.load %arg3[%swap3A, %swap3A_2] : memref<2048x128xf32, #tpu.memory_space<vmem>>, vector<2048x64xf32>
    tpu.vector_store %arg3[%swap3A, %swap3A_2], %transpose3A {strides = array<i32>} : memref<2048x128xf32, #tpu.memory_space<vmem>>, vector<2048x64xf32>,
    %get3A_4 = arith.constant 0 : index
    %get3A_5 = arith.constant 0 : index
    %get3A_6 = vector.load %arg2[%get3A_4, %get3A_5] : memref<64x2048xf32, #tpu.memory_space<vmem>>, vector<64x2048xf32>
    %transpose3A_7 = tpu.transpose %get3A_6, [1, 0] : vector<64x2048xf32> -> vector<2048x64xf32>
    %swap3A_8 = arith.constant 0 : index
    %swap3A_9 = arith.constant 64 : index
    %swap3A_10 = vector.load %arg3[%swap3A_8, %swap3A_9] : memref<2048x128xf32, #tpu.memory_space<vmem>>, vector<2048x64xf32>
    tpu.vector_store %arg3[%swap3A_8, %swap3A_9], %transpose3A_7 {strides = array<i32>} : memref<2048x128xf32, #tpu.memory_space<vmem>>, vector<2048x64xf32>,
    return
  }
  func.func @transform_0(%arg0: i32) -> (i32, i32) {
    %c0_i32 = arith.constant 0 : i32
    %c0_i32_0 = arith.constant 0 : i32
    return %c0_i32, %arg0 : i32, i32
  }
  func.func @transform_1(%arg0: i32) -> (i32, i32) {
    %add3A = arith.constant 256 : i32
    %add3A_0 = arith.addi %arg0, %add3A : i32
    %min3A = arith.constant 488 : i32
    %min3A_1 = arith.minsi %add3A_0, %min3A : i32
    %c0_i32 = arith.constant 0 : i32
    %c0_i32_2 = arith.constant 0 : i32
    return %c0_i32, %min3A_1 : i32, i32
  }
  func.func @transform_2(%arg0: i32) -> (i32, i32) {
    %c0_i32 = arith.constant 0 : i32
    %c0_i32_0 = arith.constant 0 : i32
    return %arg0, %c0_i32 : i32, i32
  }
}

module attributes {stable_mosaic.version = 14 : i64} {
  func.func @body(%arg0: memref<2560x128xi32, #tpu.memory_space<vmem>>, %arg1: memref<2560x128xi32, #tpu.memory_space<vmem>>, %arg2: memref<2560x128xi32, #tpu.memory_space<vmem>>) attributes {dimension_semantics = [], scalar_prefetch = 0 : i64, scratch_operands = 0 : i64, tpu.core_type = #tpu.core_type<tc>} {
    %get3A = arith.constant 0 : index
    %get3A_0 = arith.constant 0 : index
    %get3A_1 = vector.load %arg0[%get3A, %get3A_0] : memref<2560x128xi32, #tpu.memory_space<vmem>>, vector<2560x128xi32>
    %and3A = arith.constant 524287 : i32
    %and3A_2 = vector.broadcast %and3A : i32 to vector<2560x128xi32>
    %and3A_3 = arith.andi %get3A_1, %and3A_2 : vector<2560x128xi32>
    %swap3A = arith.constant 0 : index
    %swap3A_4 = arith.constant 0 : index
    %swap3A_5 = vector.load %arg1[%swap3A, %swap3A_4] : memref<2560x128xi32, #tpu.memory_space<vmem>>, vector<2560x128xi32>
    tpu.vector_store %arg1[%swap3A, %swap3A_4], %and3A_3 {strides = array<i32>} : memref<2560x128xi32, #tpu.memory_space<vmem>>, vector<2560x128xi32>,
    %shift_right_logical3A = arith.constant 19 : i32
    %shift_right_logical3A_6 = vector.broadcast %shift_right_logical3A : i32 to vector<2560x128xi32>
    %shift_right_logical3A_7 = arith.shrui %get3A_1, %shift_right_logical3A_6 : vector<2560x128xi32>
    %shift_left3A = arith.constant 6 : i32
    %shift_left3A_8 = vector.broadcast %shift_left3A : i32 to vector<2560x128xi32>
    %shift_left3A_9 = arith.shli %shift_right_logical3A_7, %shift_left3A_8 : vector<2560x128xi32>
    %swap3A_10 = arith.constant 0 : index
    %swap3A_11 = arith.constant 0 : index
    %swap3A_12 = vector.load %arg2[%swap3A_10, %swap3A_11] : memref<2560x128xi32, #tpu.memory_space<vmem>>, vector<2560x128xi32>
    tpu.vector_store %arg2[%swap3A_10, %swap3A_11], %shift_left3A_9 {strides = array<i32>} : memref<2560x128xi32, #tpu.memory_space<vmem>>, vector<2560x128xi32>,
    return
  }
}

</mosaic_0001>

<sc_bundles>
// kernel: kernel.5.cloned.1.call-start
scs
__scs_entry_jumppad:
0x0: {  	(pc) =	sbr.rel $0x88, $3  }
0x1: {  	(tag) =	ssettag $0x0;
	lr =	simm.s32 $0x1  }
0x2: {  	[smem:$0x3F9F] =	sst lr;
	_ =	strace $0xD0000000  }
0x3: {  	_ = 	snop  }
0x4: {  	_ = 	snop  }
0x5: {  	_ = 	snop  }
0x6: {  	_ = 	snop  }
0x7: {  	_ = 	snop  }
__scs_overlays_trampoline_lowered:
0x8: {  	[smem:$0x3FAE] =	sst s0  }
0x9: {  	[smem:$0x3FAF] =	sst s1  }
0xa: {  	[smem:$0x3FB0] =	sst s2  }
0xb: {  	[smem:$0x3FB1] =	sst s3  }
0xc: {  	[smem:$0x3FB2] =	sst s4  }
0xd: {  	[smem:$0x3FB3] =	sst s5  }
0xe: {  	[smem:$0x3FB4] =	sst s6  }
0xf: {  	[smem:$0x3FB5] =	sst s7  }
0x10: {  	[smem:$0x3FB6] =	sst s8  }
0x11: {  	[smem:$0x3FB7] =	sst s9;
	s0 =	simm.s32 @!p0 $0x0  }
0x12: {  	s1 =	sld [smem:$0x3F9D];
	s0 =	simm.s32 @p0 $0x1  }
0x13: {  	[smem:$0x3FB8] =	sst s0;
	s0 =	simm.s32 @!p1 $0x0  }
0x14: {  	s2 =	sld [smem:$0x3F9C];
	s0 =	simm.s32 @p1 $0x1  }
0x15: {  	[smem:$0x3FB9] =	sst s0;
	s0 =	simm.s32 @!p2 $0x0  }
0x16: {  	s3 =	sld [smem:$0x3FDB];
	s0 =	simm.s32 @p2 $0x1  }
0x17: {  	s4 =	simm.s32 $0x1BF5;
	[smem:$0x3FBB] =	sst s0  }
0x18: {  	s0 =	sld [smem:$0x3F9E];
	_ =	swait.ge [sflag:s4], $0x0  }
0x19: {  	s7 =	sld [smem:$0x3F9F]  }
0x1a: {  	s8 =	sadd.s32 $0xFFFFE003, lr  }
0x1b: {  	s9 =	sadd.s32 $0xFFFFFEF7, lr;
	s5 =	simm.s32 $0xFFFFFFFF;
	p2 =	slt.u32 s8, $0xFFFFF086  }
0x1c: {  	p1 =	slt.u32 s9, $0xF7A;
	s5 =	simm.s32 @!p2 $0x0  }
0x1d: {  	s5 =	simm.s32 @p1 $0x1;
	p0 =	seq.s32 s7, s2  }
0x1e: {  	s7 =	smul.u32 @!p0 $0xF7A, s2;
	p2 =	seq.s32 @!p0 s5, $0x0  }
0x1f: {  	s9 =	smul.u32 $0xF7A, s1;
	s8 =	simm.s32 @!p0 $0x1BF5;
	p2 =	por !p2, p0  }
0x20: {  	[sflag:s8] =	ssyncset.s32 @!p0 $0xFFFFF086;
	s6 =	sadd.s32 @!p0 s3, s7;
	s7 =	simm.s32 @!p0 $0x108  }
0x21: {  	s3 =	sadd.s32 s3, s9;
	s6 =	sadd.s32 @!p0 $0x88, s6;
	s7 =	simm.s32 @p2 $0x1082  }
0x22: {  	[simem:s7], [sflag:s8] =	dma.local @!p0 [hbm:s6], $0xF7A  }
0x23: {  	s9 =	sor.u32 $0xD0000000, s2;
	s6 =	simm.s32 $0x108;
	_ =	swait.ge @!p0 [sflag:s8], $0x0  }
0x24: {  	s3 =	sadd.s32 $0x88, s3;
	s6 =	simm.s32 @!p1 $0x1082;
	[sflag:s4] =	ssyncset.s32 $0xFFFFF086  }
0x25: {  	[simem:s6], [sflag:s4] =	dma.local [hbm:s3], $0xF7A  }
0x26: {  	[smem:$0x3F9F] =	sst s1;
	(tag) =	ssettag s2;
	_ =	strace s9  }
0x27: {  	s1 =	sld [smem:$0x3FAF]  }
0x28: {  	s2 =	sld [smem:$0x3FB0]  }
0x29: {  	s4 =	sld [smem:$0x3FB2]  }
0x2a: {  	p0 =	seq.s32 s5, $0x0;
	s5 =	sld [smem:$0x3FB3]  }
0x2b: {  	s6 =	sld [smem:$0x3FB4]  }
0x2c: {  	s7 =	sld [smem:$0x3FB5]  }
0x2d: {  	s3 =	simm.s32 $0x108;
	s8 =	sld [smem:$0x3FB6]  }
0x2e: {  	s3 =	simm.s32 @!p0 $0x1082;
	s9 =	sld [smem:$0x3FB7]  }
0x2f: {  	lr =	sadd.s32 s0, s3;
	s0 =	sld [smem:$0x3FAE]  }
0x30: {  	s3 =	sld [smem:$0x3FB1]  }
0x31: {  	[smem:$0x3FBA] =	sst s10  }
0x32: {  	s10 =	sld [smem:$0x3FB8];
	_ =	sdelay $0x3  }
0x33: {  	p0 =	seq.s32 s10, $0x1;
	s10 =	sld [smem:$0x3FBA];
	_ =	sdelay $0x3  }
0x34: {  	[smem:$0x3FBA] =	sst s10  }
0x35: {  	s10 =	sld [smem:$0x3FB9];
	_ =	sdelay $0x3  }
0x36: {  	p1 =	seq.s32 s10, $0x1;
	s10 =	sld [smem:$0x3FBA];
	_ =	sdelay $0x3  }
0x37: {  	[smem:$0x3FBA] =	sst s10  }
0x38: {  	s10 =	sld [smem:$0x3FBB]  }
0x39: {  	_ = 	snop;
	(pc) =	sbr.ind lr, $3  }
0x3a: {  	_ = 	snop  }
0x3b: {  	_ = 	snop  }
0x3c: {  	p2 =	seq.s32 s10, $0x1;
	s10 =	sld [smem:$0x3FBA]  }
0x3d: {  	_ =	shalt  }
0x3e: {  	_ =	shalt  }
0x3f: {  	_ =	shalt  }
0x40: {  	_ =	shalt  }
0x41: {  	_ =	shalt  }
0x42: {  	_ =	shalt  }
0x43: {  	_ =	shalt  }
0x44: {  	_ =	shalt  }
0x45: {  	_ =	shalt  }
0x46: {  	_ =	shalt  }
0x47: {  	_ =	shalt  }
0x48: {  	_ =	shalt  }
0x49: {  	_ =	shalt  }
0x4a: {  	_ =	shalt  }
0x4b: {  	_ =	shalt  }
0x4c: {  	_ =	shalt  }
0x4d: {  	_ =	shalt  }
0x4e: {  	_ =	shalt  }
0x4f: {  	_ =	shalt  }
0x50: {  	_ =	shalt  }
0x51: {  	_ =	shalt  }
0x52: {  	_ =	shalt  }
0x53: {  	_ =	shalt  }
0x54: {  	_ =	shalt  }
0x55: {  	_ =	shalt  }
0x56: {  	_ =	shalt  }
0x57: {  	_ =	shalt  }
0x58: {  	_ =	shalt  }
0x59: {  	_ =	shalt  }
0x5a: {  	_ =	shalt  }
0x5b: {  	_ =	shalt  }
0x5c: {  	_ =	shalt  }
0x5d: {  	_ =	shalt  }
0x5e: {  	_ =	shalt  }
0x5f: {  	_ =	shalt  }
0x60: {  	_ =	shalt  }
0x61: {  	_ =	shalt  }
0x62: {  	_ =	shalt  }
0x63: {  	_ =	shalt  }
0x64: {  	_ =	shalt  }
0x65: {  	_ =	shalt  }
0x66: {  	_ =	shalt  }
0x67: {  	_ =	shalt  }
0x68: {  	_ =	shalt  }
0x69: {  	_ =	shalt  }
0x6a: {  	_ =	shalt  }
0x6b: {  	_ =	shalt  }
0x6c: {  	_ =	shalt  }
0x6d: {  	_ =	shalt  }
0x6e: {  	_ =	shalt  }
0x6f: {  	_ =	shalt  }
0x70: {  	_ =	shalt  }
0x71: {  	_ =	shalt  }
0x72: {  	_ =	shalt  }
0x73: {  	_ =	shalt  }
0x74: {  	_ =	shalt  }
0x75: {  	_ =	shalt  }
0x76: {  	_ =	shalt  }
0x77: {  	_ =	shalt  }
0x78: {  	_ =	shalt  }
0x79: {  	_ =	shalt  }
0x7a: {  	_ =	shalt  }
0x7b: {  	_ =	shalt  }
0x7c: {  	_ =	shalt  }
0x7d: {  	_ =	shalt  }
0x7e: {  	_ =	shalt  }
0x7f: {  	_ =	shalt  }
0x80: {  	_ =	shalt  }
0x81: {  	_ =	shalt  }
0x82: {  	_ =	shalt  }
0x83: {  	_ =	shalt  }
0x84: {  	_ =	shalt  }
0x85: {  	_ =	shalt  }
0x86: {  	_ =	shalt  }
0x87: {  	_ =	shalt  }
.Lfunc_end0:
.L_simem_size_0:
called_computation_lowered:
.L_overlay_start_0:
0x88: {  	s2 =	sld [smem:$0x3FD9]  }
0x89: {  	s3 =	sld [smem:$0x3FFE];
	_ =	sdelay $0x1  }
0x8a: {  	s1 =	srdreg.scid  }
0x8b: {  	s0 =	sand.u32 $0x1, s1  }
0x8c: {  	s17 =	sshll.u32 s0, $0xA;
	s2 =	sadd.s32 s3, s2  }
0x8d: {  	s2 =	sadd.s32 s2, s17  }
0x8e: {  	[smem:$0x3FC6] =	sst s2  }
0x8f: {  	_ = 	snop  }
0x90: {  	s2 =	sld [smem:$0x3FD0];
	(tm) =	ssettm $0x1  }
0x91: {  	s18 =	sld [smem:$0x3FFB];
	_ =	sdelay $0x3  }
0x92: {  	_ =	strace s18  }
0x93: {  	s3 =	sld [smem:$0x3FFC];
	_ =	sdelay $0x3  }
0x94: {  	_ =	strace s3  }
0x95: {  	s3 =	sld [smem:$0x3FFD];
	_ =	sdelay $0x3  }
0x96: {  	_ =	strace s3  }
0x97: {  	_ =	strace $0x8FFFFFFF  }
0x98: {  	s19 =	sld [smem:$0x3FDB];
	_ =	sdelay $0x1  }
0x99: {  	s4 =	simm.s32 $_scs_section_size  }
0x9a: {  	s5 =	simm.s32 $_size__tile_overlayer_lowered;
	s6 =	simm.s32 $_tile_overlayer_lowered  }
0x9b: {  	s22 =	simm.s32 $0x1BFF;
	s21 =	sshll.u32 s6, $0x1;
	s3 =	sadd.s32 s4, s19  }
0x9c: {  	s7 =	simm.s32 $0x0;
	s20 =	sshll.u32 s5, $0x1;
	s5 =	sadd.s32 s21, s3  }
0x9d: {  	[timem:s7], [sflag:s22] =	dma.local [hbm:s5], s20  }
0x9e: {  	_ =	swait.ge [sflag:s22], s20  }
0x9f: {  	s4 =	ssub.s32 $0x0, s20;
	[sflag:s22] =	ssyncset.done $0x0  }
0xa0: {  	[sflag:s22] =	ssyncadd.s32 s4;
	_ =	sdelay $0x1  }
0xa1: {  	s23 =	simm.s32 $0x1B8B  }
0xa2: {  	_ =	swait.ge [sflag:s23], $0x1  }
0xa3: {  	[sflag:s23] =	ssyncset.done $0x0  }
0xa4: {  	s25 =	simm.s32 $0x1B8E;
	s24 =	sld [smem:$0x3FFE];
	[sflag:s23] =	ssyncadd.s32 $0xFFFFFFFF  }
0xa5: {  	s26 =	simm.s32 $execute0_lowered;
	[smem:$0x3FD2] =	sst s25  }
0xa6: {  	s5 =	sshll.u32 s26, $0x1;
	_ =	strace $0x80000046;
	[dreg:$0x1] =	wrdreg $0xFFFFFFFF  }
0xa7: {  	s28 =	simm.s32 $_size_execute0_lowered;
	s3 =	sadd.s32 s3, s5;
	[dreg:$0x0] =	wrdreg $0x0  }
0xa8: {  	s5 =	sshll.u32 s28, $0x1;
	[dreg:$0x2] =	wrdreg s3  }
0xa9: {  	[dreg:$0x3] =	wrdreg s5  }
0xaa: {  	[dreg:$0x4] =	wrdreg $0xC0  }
0xab: {  	_ =	task [dreg:s7], $0x5FFFF  }
0xac: {  	[dreg:$0x1] =	wrdreg $0xFFFFFFFF  }
0xad: {  	[dreg:$0x0] =	wrdreg $0x60  }
0xae: {  	[dreg:$0x2] =	wrdreg s24  }
0xaf: {  	[dreg:$0x3] =	wrdreg s2  }
0xb0: {  	[dreg:$0x4] =	wrdreg $0x9  }
0xb1: {  	_ =	task.clear_ibuf [dreg:s7], $0x5FFFF;
	_ =	strace $0x90000046  }
0xb2: {  	s29 =	simm.s32 $0x9;
	_ =	strace $0x80000048  }
0xb3: {  	_ =	swait.ge [sflag:s29], $0x1  }
0xb4: {  	[sflag:s29] =	ssyncadd.s32 $0xFFFFFFFF  }
0xb5: {  	_ =	strace $0x90000048  }
0xb6: {  	_ =	sfence  }
0xb7: {  	s30 =	sld [smem:$0x0];
	_ =	sdelay $0x2  }
0xb8: {  	s31 =	sshll.u32 s1, $0xD;
	s1 =	sshrl.u32 s1, $0x2  }
0xb9: {  	s3 =	sand.u32 $0x4000, s31;
	s1 =	sadd.s32 s1, s30  }
0xba: {  	s0 =	sor.u32 s3, s0;
	s1 =	sshll.u32 s1, $0x11  }
0xbb: {  	s0 =	sor.u32 s1, s0  }
0xbc: {  	s0 =	sadd.s32 $0x8F2B, s0  }
0xbd: {  	[sflag:s0] =	ssyncadd.remote.s32 $0x1  }
0xbe: {  	_ =	sfence.sel $0xFFFF  }
0xbf: {  	[dreg:$0x0] =	wrdreg $0xFFFFFFFF;
	(pc) =	sbr.abs _section_cstart, $3  }
0xc0: {  	[dreg:$0x1] =	wrdreg $0xFFFFFFFF  }
0xc1: {  	_ =	task.clear_ibuf [dreg:s7], $0x2FFFF;
	_ =	strace $0x9FFFFFFF  }
0xc2: {  	(tm) =	ssettm $0x7FFFFFFF  }
0xc3: {  	_ =	shalt  }
tec
execute0_lowered:
.L_overlay_start_1:
0x0: {  	(tag) =	ssettag $0x1  }
0x1: {  	s5 =	rddreg [dreg:$0x0];
	s1 =	srdreg.scid  }
0x2: {  	s0 =	stileid.u32;
	s2 =	rddreg [dreg:$0x1]  }
0x3: {  	s3 =	simm.s32 $0x0;
	s9 =	simm.s32 $0x2;
	s10 =	simm.s32 $0x2800  }
0x4: {  	s11 =	simm.s32 $0x80;
	s12 =	simm.s32 $0x5000;
	s13 =	simm.s32 $0x9000  }
0x5: {  	s14 =	simm.s32 $0x1;
	s15 =	simm.s32 $0xD000;
	s16 =	simm.s32 $0x400  }
0x6: {  	v0 =	vlaneseq.u32;
	s17 =	simm.s32 $0x20000;
	s4 =	sand.u32 $0x1, s1;
	s6 =	sshll.u32 s0, $0x1  }
0x7: {  	s18 =	simm.s32 $0x0;
	s1 =	rddreg [dreg:$0x2];
	v1 =	vmul.u32 $0x80, v0;
	v3 =	vor.u32 $0x10, v0;
	v5 =	vor.u32 $0x20, v0;
	s6 =	sor.u32 s4, s6  }
0x8: {  	[smem:$0x7FF] =	sst s3;
	v7 =	vor.u32 $0x30, v0;
	v9 =	vor.u32 $0x40, v0;
	v11 =	vor.u32 $0x50, v0;
	s8 =	ssub.s32 $0x2, s4;
	s7 =	smul.u32 $0x500, s6  }
0x9: {  	v13 =	vor.u32 $0x60, v0;
	v15 =	vor.u32 $0x70, v0;
	_ =	strace $0x80000047;
	s4 =	sadd.s32 $0x14A00, s5;
	s31 =	sshrl.u32 s8, $0x1;
	v2 =	vor.u32 $0x800, v1  }
0xa: {  	v4 =	vor.u32 $0x1000, v1;
	v6 =	vor.u32 $0x1800, v1;
	v8 =	vor.u32 $0x2000, v1;
	s8 =	ssub.s32 s8, s31;
	s7 =	sadd.s32 s7, s5;
	s5 =	smul.u32 $0x50, s6  }
0xb: {  	v10 =	vor.u32 $0x2800, v1;
	v12 =	vor.u32 $0x3000, v1;
	v14 =	vor.u32 $0x3800, v1;
	s8 =	smax.u32 s8, $0x1;
	s6 =	sadd.s32 $0xA00, s7;
	s7 =	sadd.s32 $0xAA00, s7  }
.LBB2_1:
0xc: {  	[tilespmem:s3], [sflag:$0x2] =	stream.linear.gather [hbm4b:s6+s3], $0x2800, $0x38;
	[tilespmem:$0xF000] =	vst v63  }
0xd: {  	_ =	swait.ge [sflag:s9], $0x2800  }
0xe: {  	[sflag:s9] =	ssyncset.done $0x0  }
0xf: {  	[sflag:s9] =	ssyncadd.s32 $0xFFFFD800  }
0x10: {  	[tilespmem:s10], [sflag:$0x2] =	stream.linear.gather [hbm4b:s7+s3], $0x2800, $0x38;
	[tilespmem:$0xF000] =	vst v63  }
0x11: {  	_ =	swait.ge [sflag:s9], $0x2800  }
0x12: {  	[sflag:s9] =	ssyncset.done $0x0  }
0x13: {  	s19 =	simm.s32 $0x0;
	[sflag:s9] =	ssyncadd.s32 $0xFFFFD800  }
0x14: {  	[tilespmem:s12], [sflag:$0x1] =	stream.indirect.gather [hbm4b:s4+s11], $0x80, s3, s11, $0xb8;
	[tilespmem:$0xF000] =	vst v63  }
.LBB2_2:
0x15: {  	s20 =	sshllo.u32 s19, $0x1  }
0x16: {  	s21 =	sshll.u32 s20, $0x7  }
0x17: {  	[tilespmem:s13], [sflag:$0x1] =	stream.indirect.gather [hbm4b:s4+s11], $0x80, s21, s11, $0xb8;
	[tilespmem:$0xF000] =	vst v63  }
0x18: {  	_ =	swait.ge [sflag:s14], $0x4000  }
0x19: {  	s22 =	sshll.u32 s19, $0xA;
	[sflag:s14] =	ssyncset.done $0x0  }
0x1a: {  	s23 =	sshrl.u32 s22, $0x2;
	[sflag:s14] =	ssyncadd.s32 $0xFFFFC000  }
0x1b: {  	v23 =	vld [tilespmem:s23+$0x2800];
	_ =	sdelay $0x1  }
0x1c: {  	s24 =	simm.s32 $0x0  }
0x1d: {  	v24 =	vadd.s32 s24, v0  }
0x1e: {  	v25 =	vand.u32 $0xF, v24  }
0x1f: {  	v16 =	vadd.s32 v23, v25  }
0x20: {  	v22 =	vld [tilespmem:s23+$0x2810];
	v16 =	vadd.s32 v1, v16;
	_ =	sdelay $0x3  }
0x21: {  	v26 =	vshll.u32 v25, $0x7;
	v21 =	vld [tilespmem:s23+$0x2820]  }
0x22: {  	v28 =	vor.u32 v0, v26;
	v27 =	vld.idx.msk [tilespmem:v16+s12+$0x0], $0xffff;
	v16 =	vadd.s32 v22, v25  }
0x23: {  	v19 =	vld [tilespmem:s23+$0x2830];
	v29 =	vadd.s32 v2, v16  }
0x24: {  	v20 =	vld [tilespmem:s23+$0x2840]  }
0x25: {  	v18 =	vld [tilespmem:s23+$0x2850]  }
0x26: {  	v17 =	vld [tilespmem:s23+$0x2860]  }
0x27: {  	v16 =	vld [tilespmem:s23+$0x2870];
	[tilespmem:v28+s15+$0x0] =	vst.idx.msk $0xffff, v27  }
0x28: {  	v28 =	vor.u32 v3, v26;
	v27 =	vld.idx.msk [tilespmem:v29+s12+$0x0], $0xffff;
	v29 =	vadd.s32 v21, v25  }
0x29: {  	v29 =	vadd.s32 v4, v29;
	_ =	sdelay $0x3  }
0x2a: {  	[tilespmem:v28+s15+$0x0] =	vst.idx.msk $0xffff, v27  }
0x2b: {  	v28 =	vor.u32 v5, v26;
	v27 =	vld.idx.msk [tilespmem:v29+s12+$0x0], $0xffff;
	v29 =	vadd.s32 v19, v25  }
0x2c: {  	v29 =	vadd.s32 v6, v29;
	_ =	sdelay $0x3  }
0x2d: {  	[tilespmem:v28+s15+$0x0] =	vst.idx.msk $0xffff, v27  }
0x2e: {  	v28 =	vor.u32 v7, v26;
	v27 =	vld.idx.msk [tilespmem:v29+s12+$0x0], $0xffff;
	v29 =	vadd.s32 v20, v25  }
0x2f: {  	v29 =	vadd.s32 v8, v29;
	_ =	sdelay $0x3  }
0x30: {  	[tilespmem:v28+s15+$0x0] =	vst.idx.msk $0xffff, v27  }
0x31: {  	v28 =	vor.u32 v9, v26;
	v27 =	vld.idx.msk [tilespmem:v29+s12+$0x0], $0xffff;
	v29 =	vadd.s32 v18, v25  }
0x32: {  	v29 =	vadd.s32 v10, v29;
	_ =	sdelay $0x3  }
0x33: {  	[tilespmem:v28+s15+$0x0] =	vst.idx.msk $0xffff, v27  }
0x34: {  	v28 =	vor.u32 v11, v26;
	v27 =	vld.idx.msk [tilespmem:v29+s12+$0x0], $0xffff;
	v29 =	vadd.s32 v17, v25  }
0x35: {  	v29 =	vadd.s32 v12, v29;
	_ =	sdelay $0x3  }
0x36: {  	[tilespmem:v28+s15+$0x0] =	vst.idx.msk $0xffff, v27  }
0x37: {  	v28 =	vor.u32 v13, v26;
	v27 =	vld.idx.msk [tilespmem:v29+s12+$0x0], $0xffff;
	v29 =	vadd.s32 v16, v25  }
0x38: {  	v29 =	vadd.s32 v14, v29;
	_ =	sdelay $0x3  }
0x39: {  	[tilespmem:v28+s15+$0x0] =	vst.idx.msk $0xffff, v27;
	v27 =	vor.u32 $0x10, v24  }
0x3a: {  	v26 =	vor.u32 v15, v26;
	v28 =	vld.idx.msk [tilespmem:v29+s12+$0x0], $0xffff;
	v29 =	vadd.s32 v23, v27  }
0x3b: {  	v29 =	vadd.s32 v1, v29;
	_ =	sdelay $0x3  }
0x3c: {  	[tilespmem:v26+s15+$0x0] =	vst.idx.msk $0xffff, v28;
	v26 =	vshll.u32 v27, $0x7  }
0x3d: {  	v30 =	vadd.s32 v22, v27;
	v28 =	vld.idx.msk [tilespmem:v29+s12+$0x0], $0xffff;
	v29 =	vor.u32 v0, v26  }
0x3e: {  	v30 =	vadd.s32 v2, v30;
	_ =	sdelay $0x3  }
0x3f: {  	[tilespmem:v29+s15+$0x0] =	vst.idx.msk $0xffff, v28  }
0x40: {  	v59 =	vadd.s32 v21, v27;
	v29 =	vor.u32 v3, v26;
	v28 =	vld.idx.msk [tilespmem:v30+s12+$0x0], $0xffff  }
0x41: {  	v30 =	vadd.s32 v4, v59;
	_ =	sdelay $0x3  }
0x42: {  	[tilespmem:v29+s15+$0x0] =	vst.idx.msk $0xffff, v28  }
0x43: {  	v60 =	vadd.s32 v19, v27;
	v29 =	vor.u32 v5, v26;
	v28 =	vld.idx.msk [tilespmem:v30+s12+$0x0], $0xffff  }
0x44: {  	v30 =	vadd.s32 v6, v60;
	_ =	sdelay $0x3  }
0x45: {  	[tilespmem:v29+s15+$0x0] =	vst.idx.msk $0xffff, v28  }
0x46: {  	v61 =	vadd.s32 v20, v27;
	v29 =	vor.u32 v7, v26;
	v28 =	vld.idx.msk [tilespmem:v30+s12+$0x0], $0xffff  }
0x47: {  	v30 =	vadd.s32 v8, v61;
	_ =	sdelay $0x3  }
0x48: {  	[tilespmem:v29+s15+$0x0] =	vst.idx.msk $0xffff, v28  }
0x49: {  	v62 =	vadd.s32 v18, v27;
	v29 =	vor.u32 v9, v26;
	v28 =	vld.idx.msk [tilespmem:v30+s12+$0x0], $0xffff  }
0x4a: {  	v30 =	vadd.s32 v10, v62;
	_ =	sdelay $0x3  }
0x4b: {  	[tilespmem:v29+s15+$0x0] =	vst.idx.msk $0xffff, v28  }
0x4c: {  	v63 =	vadd.s32 v17, v27;
	v29 =	vor.u32 v11, v26;
	v28 =	vld.idx.msk [tilespmem:v30+s12+$0x0], $0xffff  }
0x4d: {  	v30 =	vadd.s32 v12, v63;
	_ =	sdelay $0x3  }
0x4e: {  	[tilespmem:v29+s15+$0x0] =	vst.idx.msk $0xffff, v28  }
0x4f: {  	v27 =	vadd.s32 v16, v27;
	v29 =	vor.u32 v13, v26;
	v28 =	vld.idx.msk [tilespmem:v30+s12+$0x0], $0xffff  }
0x50: {  	v27 =	vadd.s32 v14, v27;
	_ =	sdelay $0x3  }
0x51: {  	v25 =	vor.u32 $0x20, v25;
	[tilespmem:v29+s15+$0x0] =	vst.idx.msk $0xffff, v28  }
0x52: {  	v26 =	vor.u32 v15, v26;
	v28 =	vadd.s32 v23, v25;
	v27 =	vld.idx.msk [tilespmem:v27+s12+$0x0], $0xffff  }
0x53: {  	v28 =	vadd.s32 v1, v28;
	_ =	sdelay $0x3  }
0x54: {  	[tilespmem:v26+s15+$0x0] =	vst.idx.msk $0xffff, v27;
	v26 =	vshll.u32 v25, $0x7  }
0x55: {  	v29 =	vadd.s32 v22, v25;
	v27 =	vld.idx.msk [tilespmem:v28+s12+$0x0], $0xffff;
	v28 =	vor.u32 v0, v26  }
0x56: {  	v29 =	vadd.s32 v2, v29;
	_ =	sdelay $0x3  }
0x57: {  	[tilespmem:v28+s15+$0x0] =	vst.idx.msk $0xffff, v27  }
0x58: {  	v28 =	vor.u32 v3, v26;
	v27 =	vld.idx.msk [tilespmem:v29+s12+$0x0], $0xffff;
	v29 =	vadd.s32 v21, v25  }
0x59: {  	v29 =	vadd.s32 v4, v29;
	_ =	sdelay $0x3  }
0x5a: {  	[tilespmem:v28+s15+$0x0] =	vst.idx.msk $0xffff, v27  }
0x5b: {  	v28 =	vor.u32 v5, v26;
	v27 =	vld.idx.msk [tilespmem:v29+s12+$0x0], $0xffff;
	v29 =	vadd.s32 v19, v25  }
0x5c: {  	v29 =	vadd.s32 v6, v29;
	_ =	sdelay $0x3  }
0x5d: {  	[tilespmem:v28+s15+$0x0] =	vst.idx.msk $0xffff, v27  }
0x5e: {  	v28 =	vor.u32 v7, v26;
	v27 =	vld.idx.msk [tilespmem:v29+s12+$0x0], $0xffff;
	v29 =	vadd.s32 v20, v25  }
0x5f: {  	v29 =	vadd.s32 v8, v29;
	_ =	sdelay $0x3  }
0x60: {  	[tilespmem:v28+s15+$0x0] =	vst.idx.msk $0xffff, v27  }
0x61: {  	v28 =	vor.u32 v9, v26;
	v27 =	vld.idx.msk [tilespmem:v29+s12+$0x0], $0xffff;
	v29 =	vadd.s32 v18, v25  }
0x62: {  	v29 =	vadd.s32 v10, v29;
	_ =	sdelay $0x3  }
0x63: {  	[tilespmem:v28+s15+$0x0] =	vst.idx.msk $0xffff, v27  }
0x64: {  	v28 =	vor.u32 v11, v26;
	v27 =	vld.idx.msk [tilespmem:v29+s12+$0x0], $0xffff;
	v29 =	vadd.s32 v17, v25  }
0x65: {  	v29 =	vadd.s32 v12, v29;
	_ =	sdelay $0x3  }
0x66: {  	[tilespmem:v28+s15+$0x0] =	vst.idx.msk $0xffff, v27  }
0x67: {  	v25 =	vadd.s32 v16, v25;
	v28 =	vor.u32 v13, v26;
	v27 =	vld.idx.msk [tilespmem:v29+s12+$0x0], $0xffff  }
0x68: {  	v25 =	vadd.s32 v14, v25;
	_ =	sdelay $0x3  }
0x69: {  	v24 =	vor.u32 $0x30, v24;
	[tilespmem:v28+s15+$0x0] =	vst.idx.msk $0xffff, v27  }
0x6a: {  	v26 =	vor.u32 v15, v26;
	v27 =	vadd.s32 v23, v24;
	v25 =	vld.idx.msk [tilespmem:v25+s12+$0x0], $0xffff  }
0x6b: {  	v27 =	vadd.s32 v1, v27;
	_ =	sdelay $0x3  }
0x6c: {  	[tilespmem:v26+s15+$0x0] =	vst.idx.msk $0xffff, v25;
	v26 =	vshll.u32 v24, $0x7  }
0x6d: {  	v28 =	vadd.s32 v22, v24;
	v25 =	vld.idx.msk [tilespmem:v27+s12+$0x0], $0xffff;
	v27 =	vor.u32 v0, v26  }
0x6e: {  	v28 =	vadd.s32 v2, v28;
	_ =	sdelay $0x3  }
0x6f: {  	[tilespmem:v27+s15+$0x0] =	vst.idx.msk $0xffff, v25  }
0x70: {  	v27 =	vor.u32 v3, v26;
	v25 =	vld.idx.msk [tilespmem:v28+s12+$0x0], $0xffff;
	v28 =	vadd.s32 v21, v24  }
0x71: {  	v28 =	vadd.s32 v4, v28;
	_ =	sdelay $0x3  }
0x72: {  	[tilespmem:v27+s15+$0x0] =	vst.idx.msk $0xffff, v25  }
0x73: {  	v27 =	vor.u32 v5, v26;
	v25 =	vld.idx.msk [tilespmem:v28+s12+$0x0], $0xffff;
	v28 =	vadd.s32 v19, v24  }
0x74: {  	v28 =	vadd.s32 v6, v28;
	_ =	sdelay $0x3  }
0x75: {  	[tilespmem:v27+s15+$0x0] =	vst.idx.msk $0xffff, v25  }
0x76: {  	v27 =	vor.u32 v7, v26;
	v25 =	vld.idx.msk [tilespmem:v28+s12+$0x0], $0xffff;
	v28 =	vadd.s32 v20, v24  }
0x77: {  	v28 =	vadd.s32 v8, v28;
	_ =	sdelay $0x3  }
0x78: {  	[tilespmem:v27+s15+$0x0] =	vst.idx.msk $0xffff, v25  }
0x79: {  	v27 =	vor.u32 v9, v26;
	v25 =	vld.idx.msk [tilespmem:v28+s12+$0x0], $0xffff;
	v28 =	vadd.s32 v18, v24  }
0x7a: {  	v28 =	vadd.s32 v10, v28;
	_ =	sdelay $0x3  }
0x7b: {  	[tilespmem:v27+s15+$0x0] =	vst.idx.msk $0xffff, v25  }
0x7c: {  	v27 =	vor.u32 v11, v26;
	v25 =	vld.idx.msk [tilespmem:v28+s12+$0x0], $0xffff;
	v28 =	vadd.s32 v17, v24  }
0x7d: {  	v28 =	vadd.s32 v12, v28;
	_ =	sdelay $0x3  }
0x7e: {  	[tilespmem:v27+s15+$0x0] =	vst.idx.msk $0xffff, v25  }
0x7f: {  	v24 =	vadd.s32 v16, v24;
	v25 =	vld.idx.msk [tilespmem:v28+s12+$0x0], $0xffff;
	v28 =	vor.u32 v13, v26  }
0x80: {  	v27 =	vadd.s32 v14, v24;
	_ =	sdelay $0x2  }
0x81: {  	s31 =	simm.s32 $0x1  }
0x82: {  	s24 =	simm.s32 $0x2;
	s23 =	sshll.u32 s19, $0x1;
	v24 =	vadd.s32 s31, v0;
	[tilespmem:v28+s15+$0x0] =	vst.idx.msk $0xffff, v25  }
.LBB2_3:
0x83: {  	p0 =	sne.s32 s24, $0xF;
	v25 =	vand.u32 $0xF, v24;
	v27 =	vld.idx.msk [tilespmem:v27+s12+$0x0], $0xffff  }
0x84: {  	v26 =	vor.u32 v15, v26;
	v28 =	vadd.s32 v23, v25  }
0x85: {  	v28 =	vadd.s32 v1, v28;
	_ =	sdelay $0x3  }
0x86: {  	[tilespmem:v26+s15+$0x0] =	vst.idx.msk $0xffff, v27  }
0x87: {  	v27 =	vshll.u32 v25, $0x7;
	v26 =	vld.idx.msk [tilespmem:v28+s12+$0x0], $0xffff  }
0x88: {  	v29 =	vadd.s32 v22, v25;
	v28 =	vor.u32 v0, v27  }
0x89: {  	v29 =	vadd.s32 v2, v29;
	_ =	sdelay $0x3  }
0x8a: {  	[tilespmem:v28+s15+$0x0] =	vst.idx.msk $0xffff, v26  }
0x8b: {  	v26 =	vld.idx.msk [tilespmem:v29+s12+$0x0], $0xffff  }
0x8c: {  	v28 =	vor.u32 v3, v27;
	v29 =	vadd.s32 v21, v25  }
0x8d: {  	v29 =	vadd.s32 v4, v29;
	_ =	sdelay $0x3  }
0x8e: {  	[tilespmem:v28+s15+$0x0] =	vst.idx.msk $0xffff, v26  }
0x8f: {  	v26 =	vld.idx.msk [tilespmem:v29+s12+$0x0], $0xffff  }
0x90: {  	v28 =	vor.u32 v5, v27;
	v29 =	vadd.s32 v19, v25  }
0x91: {  	v29 =	vadd.s32 v6, v29;
	_ =	sdelay $0x3  }
0x92: {  	[tilespmem:v28+s15+$0x0] =	vst.idx.msk $0xffff, v26  }
0x93: {  	v26 =	vld.idx.msk [tilespmem:v29+s12+$0x0], $0xffff  }
0x94: {  	v28 =	vor.u32 v7, v27;
	v29 =	vadd.s32 v20, v25  }
0x95: {  	v29 =	vadd.s32 v8, v29;
	_ =	sdelay $0x3  }
0x96: {  	[tilespmem:v28+s15+$0x0] =	vst.idx.msk $0xffff, v26  }
0x97: {  	v26 =	vld.idx.msk [tilespmem:v29+s12+$0x0], $0xffff  }
0x98: {  	v28 =	vor.u32 v9, v27;
	v29 =	vadd.s32 v18, v25  }
0x99: {  	v29 =	vadd.s32 v10, v29;
	_ =	sdelay $0x3  }
0x9a: {  	[tilespmem:v28+s15+$0x0] =	vst.idx.msk $0xffff, v26  }
0x9b: {  	v26 =	vld.idx.msk [tilespmem:v29+s12+$0x0], $0xffff  }
0x9c: {  	v28 =	vor.u32 v11, v27;
	v29 =	vadd.s32 v17, v25  }
0x9d: {  	v29 =	vadd.s32 v12, v29;
	_ =	sdelay $0x3  }
0x9e: {  	[tilespmem:v28+s15+$0x0] =	vst.idx.msk $0xffff, v26  }
0x9f: {  	v26 =	vld.idx.msk [tilespmem:v29+s12+$0x0], $0xffff  }
0xa0: {  	v28 =	vor.u32 v13, v27;
	v29 =	vadd.s32 v16, v25  }
0xa1: {  	v29 =	vadd.s32 v14, v29;
	_ =	sdelay $0x3  }
0xa2: {  	[tilespmem:v28+s15+$0x0] =	vst.idx.msk $0xffff, v26  }
0xa3: {  	v28 =	vor.u32 $0x10, v24;
	v26 =	vld.idx.msk [tilespmem:v29+s12+$0x0], $0xffff  }
0xa4: {  	v27 =	vor.u32 v15, v27;
	v29 =	vadd.s32 v23, v28  }
0xa5: {  	v29 =	vadd.s32 v1, v29;
	_ =	sdelay $0x3  }
0xa6: {  	[tilespmem:v27+s15+$0x0] =	vst.idx.msk $0xffff, v26  }
0xa7: {  	v27 =	vshll.u32 v28, $0x7;
	v26 =	vld.idx.msk [tilespmem:v29+s12+$0x0], $0xffff  }
0xa8: {  	v30 =	vadd.s32 v22, v28;
	v29 =	vor.u32 v0, v27  }
0xa9: {  	v30 =	vadd.s32 v2, v30;
	_ =	sdelay $0x3  }
0xaa: {  	[tilespmem:v29+s15+$0x0] =	vst.idx.msk $0xffff, v26  }
0xab: {  	v26 =	vld.idx.msk [tilespmem:v30+s12+$0x0], $0xffff  }
0xac: {  	v29 =	vor.u32 v3, v27;
	v30 =	vadd.s32 v21, v28  }
0xad: {  	v30 =	vadd.s32 v4, v30;
	_ =	sdelay $0x3  }
0xae: {  	[tilespmem:v29+s15+$0x0] =	vst.idx.msk $0xffff, v26  }
0xaf: {  	v26 =	vld.idx.msk [tilespmem:v30+s12+$0x0], $0xffff  }
0xb0: {  	v29 =	vor.u32 v5, v27;
	v30 =	vadd.s32 v19, v28  }
0xb1: {  	v30 =	vadd.s32 v6, v30;
	_ =	sdelay $0x3  }
0xb2: {  	[tilespmem:v29+s15+$0x0] =	vst.idx.msk $0xffff, v26  }
0xb3: {  	v26 =	vld.idx.msk [tilespmem:v30+s12+$0x0], $0xffff  }
0xb4: {  	v29 =	vor.u32 v7, v27;
	v30 =	vadd.s32 v20, v28  }
0xb5: {  	v30 =	vadd.s32 v8, v30;
	_ =	sdelay $0x3  }
0xb6: {  	[tilespmem:v29+s15+$0x0] =	vst.idx.msk $0xffff, v26  }
0xb7: {  	v26 =	vld.idx.msk [tilespmem:v30+s12+$0x0], $0xffff  }
0xb8: {  	v29 =	vor.u32 v9, v27;
	v30 =	vadd.s32 v18, v28  }
0xb9: {  	v30 =	vadd.s32 v10, v30;
	_ =	sdelay $0x3  }
0xba: {  	[tilespmem:v29+s15+$0x0] =	vst.idx.msk $0xffff, v26  }
0xbb: {  	v26 =	vld.idx.msk [tilespmem:v30+s12+$0x0], $0xffff  }
0xbc: {  	v29 =	vor.u32 v11, v27;
	v30 =	vadd.s32 v17, v28  }
0xbd: {  	v30 =	vadd.s32 v12, v30;
	_ =	sdelay $0x3  }
0xbe: {  	[tilespmem:v29+s15+$0x0] =	vst.idx.msk $0xffff, v26  }
0xbf: {  	v26 =	vld.idx.msk [tilespmem:v30+s12+$0x0], $0xffff  }
0xc0: {  	v28 =	vadd.s32 v16, v28;
	v29 =	vor.u32 v13, v27  }
0xc1: {  	v28 =	vadd.s32 v14, v28;
	_ =	sdelay $0x3  }
0xc2: {  	[tilespmem:v29+s15+$0x0] =	vst.idx.msk $0xffff, v26  }
0xc3: {  	v25 =	vor.u32 $0x20, v25;
	v26 =	vld.idx.msk [tilespmem:v28+s12+$0x0], $0xffff  }
0xc4: {  	v27 =	vor.u32 v15, v27;
	v28 =	vadd.s32 v23, v25  }
0xc5: {  	v28 =	vadd.s32 v1, v28;
	_ =	sdelay $0x3  }
0xc6: {  	[tilespmem:v27+s15+$0x0] =	vst.idx.msk $0xffff, v26  }
0xc7: {  	v27 =	vshll.u32 v25, $0x7;
	v26 =	vld.idx.msk [tilespmem:v28+s12+$0x0], $0xffff  }
0xc8: {  	v29 =	vadd.s32 v22, v25;
	v28 =	vor.u32 v0, v27  }
0xc9: {  	v29 =	vadd.s32 v2, v29;
	_ =	sdelay $0x3  }
0xca: {  	[tilespmem:v28+s15+$0x0] =	vst.idx.msk $0xffff, v26  }
0xcb: {  	v26 =	vld.idx.msk [tilespmem:v29+s12+$0x0], $0xffff  }
0xcc: {  	v28 =	vor.u32 v3, v27;
	v29 =	vadd.s32 v21, v25  }
0xcd: {  	v29 =	vadd.s32 v4, v29;
	_ =	sdelay $0x3  }
0xce: {  	[tilespmem:v28+s15+$0x0] =	vst.idx.msk $0xffff, v26  }
0xcf: {  	v26 =	vld.idx.msk [tilespmem:v29+s12+$0x0], $0xffff  }
0xd0: {  	v28 =	vor.u32 v5, v27;
	v29 =	vadd.s32 v19, v25  }
0xd1: {  	v29 =	vadd.s32 v6, v29;
	_ =	sdelay $0x3  }
0xd2: {  	[tilespmem:v28+s15+$0x0] =	vst.idx.msk $0xffff, v26  }
0xd3: {  	v26 =	vld.idx.msk [tilespmem:v29+s12+$0x0], $0xffff  }
0xd4: {  	v28 =	vor.u32 v7, v27;
	v29 =	vadd.s32 v20, v25  }
0xd5: {  	v29 =	vadd.s32 v8, v29;
	_ =	sdelay $0x3  }
0xd6: {  	[tilespmem:v28+s15+$0x0] =	vst.idx.msk $0xffff, v26  }
0xd7: {  	v26 =	vld.idx.msk [tilespmem:v29+s12+$0x0], $0xffff  }
0xd8: {  	v28 =	vor.u32 v9, v27;
	v29 =	vadd.s32 v18, v25  }
0xd9: {  	v29 =	vadd.s32 v10, v29;
	_ =	sdelay $0x3  }
0xda: {  	[tilespmem:v28+s15+$0x0] =	vst.idx.msk $0xffff, v26  }
0xdb: {  	v26 =	vld.idx.msk [tilespmem:v29+s12+$0x0], $0xffff  }
0xdc: {  	v28 =	vor.u32 v11, v27;
	v29 =	vadd.s32 v17, v25  }
0xdd: {  	v29 =	vadd.s32 v12, v29;
	_ =	sdelay $0x3  }
0xde: {  	[tilespmem:v28+s15+$0x0] =	vst.idx.msk $0xffff, v26  }
0xdf: {  	v26 =	vld.idx.msk [tilespmem:v29+s12+$0x0], $0xffff  }
0xe0: {  	v25 =	vadd.s32 v16, v25;
	v28 =	vor.u32 v13, v27  }
0xe1: {  	v25 =	vadd.s32 v14, v25;
	_ =	sdelay $0x3  }
0xe2: {  	[tilespmem:v28+s15+$0x0] =	vst.idx.msk $0xffff, v26  }
0xe3: {  	v24 =	vor.u32 $0x30, v24;
	v25 =	vld.idx.msk [tilespmem:v25+s12+$0x0], $0xffff  }
0xe4: {  	v26 =	vor.u32 v15, v27;
	v27 =	vadd.s32 v23, v24  }
0xe5: {  	v27 =	vadd.s32 v1, v27;
	_ =	sdelay $0x3  }
0xe6: {  	[tilespmem:v26+s15+$0x0] =	vst.idx.msk $0xffff, v25  }
0xe7: {  	v26 =	vshll.u32 v24, $0x7;
	v25 =	vld.idx.msk [tilespmem:v27+s12+$0x0], $0xffff  }
0xe8: {  	v28 =	vadd.s32 v22, v24;
	v27 =	vor.u32 v0, v26  }
0xe9: {  	v28 =	vadd.s32 v2, v28;
	_ =	sdelay $0x3  }
0xea: {  	[tilespmem:v27+s15+$0x0] =	vst.idx.msk $0xffff, v25  }
0xeb: {  	v25 =	vld.idx.msk [tilespmem:v28+s12+$0x0], $0xffff  }
0xec: {  	v27 =	vor.u32 v3, v26;
	v28 =	vadd.s32 v21, v24  }
0xed: {  	v28 =	vadd.s32 v4, v28;
	_ =	sdelay $0x3  }
0xee: {  	[tilespmem:v27+s15+$0x0] =	vst.idx.msk $0xffff, v25  }
0xef: {  	v25 =	vld.idx.msk [tilespmem:v28+s12+$0x0], $0xffff  }
0xf0: {  	v27 =	vor.u32 v5, v26;
	v28 =	vadd.s32 v19, v24  }
0xf1: {  	v28 =	vadd.s32 v6, v28;
	_ =	sdelay $0x3  }
0xf2: {  	[tilespmem:v27+s15+$0x0] =	vst.idx.msk $0xffff, v25  }
0xf3: {  	v25 =	vld.idx.msk [tilespmem:v28+s12+$0x0], $0xffff  }
0xf4: {  	v27 =	vor.u32 v7, v26;
	v28 =	vadd.s32 v20, v24  }
0xf5: {  	v28 =	vadd.s32 v8, v28;
	_ =	sdelay $0x3  }
0xf6: {  	[tilespmem:v27+s15+$0x0] =	vst.idx.msk $0xffff, v25  }
0xf7: {  	v25 =	vld.idx.msk [tilespmem:v28+s12+$0x0], $0xffff  }
0xf8: {  	v27 =	vor.u32 v9, v26;
	v28 =	vadd.s32 v18, v24  }
0xf9: {  	v28 =	vadd.s32 v10, v28;
	_ =	sdelay $0x3  }
0xfa: {  	[tilespmem:v27+s15+$0x0] =	vst.idx.msk $0xffff, v25  }
0xfb: {  	v25 =	vld.idx.msk [tilespmem:v28+s12+$0x0], $0xffff  }
0xfc: {  	v27 =	vor.u32 v11, v26;
	v28 =	vadd.s32 v17, v24  }
0xfd: {  	v28 =	vadd.s32 v12, v28;
	_ =	sdelay $0x3  }
0xfe: {  	[tilespmem:v27+s15+$0x0] =	vst.idx.msk $0xffff, v25  }
0xff: {  	v25 =	vld.idx.msk [tilespmem:v28+s12+$0x0], $0xffff  }
0x100: {  	v24 =	vadd.s32 v16, v24;
	v28 =	vor.u32 v13, v26  }
.Ltmp0:
0x101: {  	v27 =	vadd.s32 v14, v24;
	(pc) =	sbr.rel @p0 .LBB2_3-.Ltmp0, $2  }
0x102: {  	_ =	sdelay $0x2  }
0x103: {  	v24 =	vadd.s32 s24, v0;
	s24 =	sadd.s32 $0x1, s24;
	[tilespmem:v28+s15+$0x0] =	vst.idx.msk $0xffff, v25  }
0x104: {  	_ =	sdelay $0x2  }
0x105: {  	v25 =	vand.u32 $0xF, v24  }
0x106: {  	v27 =	vld.idx.msk [tilespmem:v27+s12+$0x0], $0xffff;
	v26 =	vor.u32 v15, v26;
	v28 =	vadd.s32 v23, v25  }
0x107: {  	v28 =	vadd.s32 v1, v28;
	_ =	sdelay $0x3  }
0x108: {  	[tilespmem:v26+s15+$0x0] =	vst.idx.msk $0xffff, v27;
	v26 =	vshll.u32 v25, $0x7  }
0x109: {  	v29 =	vadd.s32 v22, v25;
	v27 =	vld.idx.msk [tilespmem:v28+s12+$0x0], $0xffff;
	v28 =	vor.u32 v0, v26  }
0x10a: {  	v29 =	vadd.s32 v2, v29;
	_ =	sdelay $0x3  }
0x10b: {  	[tilespmem:v28+s15+$0x0] =	vst.idx.msk $0xffff, v27  }
0x10c: {  	v28 =	vor.u32 v3, v26;
	v27 =	vld.idx.msk [tilespmem:v29+s12+$0x0], $0xffff;
	v29 =	vadd.s32 v21, v25  }
0x10d: {  	v29 =	vadd.s32 v4, v29;
	_ =	sdelay $0x3  }
0x10e: {  	[tilespmem:v28+s15+$0x0] =	vst.idx.msk $0xffff, v27  }
0x10f: {  	v28 =	vor.u32 v5, v26;
	v27 =	vld.idx.msk [tilespmem:v29+s12+$0x0], $0xffff;
	v29 =	vadd.s32 v19, v25  }
0x110: {  	v29 =	vadd.s32 v6, v29;
	_ =	sdelay $0x3  }
0x111: {  	[tilespmem:v28+s15+$0x0] =	vst.idx.msk $0xffff, v27  }
0x112: {  	v28 =	vor.u32 v7, v26;
	v27 =	vld.idx.msk [tilespmem:v29+s12+$0x0], $0xffff;
	v29 =	vadd.s32 v20, v25  }
0x113: {  	v29 =	vadd.s32 v8, v29;
	_ =	sdelay $0x3  }
0x114: {  	[tilespmem:v28+s15+$0x0] =	vst.idx.msk $0xffff, v27  }
0x115: {  	v28 =	vor.u32 v9, v26;
	v27 =	vld.idx.msk [tilespmem:v29+s12+$0x0], $0xffff;
	v29 =	vadd.s32 v18, v25  }
0x116: {  	v29 =	vadd.s32 v10, v29;
	_ =	sdelay $0x3  }
0x117: {  	[tilespmem:v28+s15+$0x0] =	vst.idx.msk $0xffff, v27  }
0x118: {  	v28 =	vor.u32 v11, v26;
	v27 =	vld.idx.msk [tilespmem:v29+s12+$0x0], $0xffff;
	v29 =	vadd.s32 v17, v25  }
0x119: {  	v29 =	vadd.s32 v12, v29;
	_ =	sdelay $0x3  }
0x11a: {  	[tilespmem:v28+s15+$0x0] =	vst.idx.msk $0xffff, v27  }
0x11b: {  	v28 =	vor.u32 v13, v26;
	v27 =	vld.idx.msk [tilespmem:v29+s12+$0x0], $0xffff;
	v29 =	vadd.s32 v16, v25  }
0x11c: {  	v29 =	vadd.s32 v14, v29;
	_ =	sdelay $0x3  }
0x11d: {  	[tilespmem:v28+s15+$0x0] =	vst.idx.msk $0xffff, v27;
	v27 =	vor.u32 $0x10, v24  }
0x11e: {  	v26 =	vor.u32 v15, v26;
	v28 =	vld.idx.msk [tilespmem:v29+s12+$0x0], $0xffff;
	v29 =	vadd.s32 v23, v27  }
0x11f: {  	v29 =	vadd.s32 v1, v29;
	_ =	sdelay $0x3  }
0x120: {  	[tilespmem:v26+s15+$0x0] =	vst.idx.msk $0xffff, v28;
	v26 =	vshll.u32 v27, $0x7  }
0x121: {  	v30 =	vadd.s32 v22, v27;
	v28 =	vld.idx.msk [tilespmem:v29+s12+$0x0], $0xffff;
	v29 =	vor.u32 v0, v26  }
0x122: {  	v30 =	vadd.s32 v2, v30;
	_ =	sdelay $0x3  }
0x123: {  	[tilespmem:v29+s15+$0x0] =	vst.idx.msk $0xffff, v28  }
0x124: {  	v53 =	vadd.s32 v21, v27;
	v29 =	vor.u32 v3, v26;
	v28 =	vld.idx.msk [tilespmem:v30+s12+$0x0], $0xffff  }
0x125: {  	v30 =	vadd.s32 v4, v53;
	_ =	sdelay $0x3  }
0x126: {  	[tilespmem:v29+s15+$0x0] =	vst.idx.msk $0xffff, v28  }
0x127: {  	v54 =	vadd.s32 v19, v27;
	v29 =	vor.u32 v5, v26;
	v28 =	vld.idx.msk [tilespmem:v30+s12+$0x0], $0xffff  }
0x128: {  	v30 =	vadd.s32 v6, v54;
	_ =	sdelay $0x3  }
0x129: {  	[tilespmem:v29+s15+$0x0] =	vst.idx.msk $0xffff, v28  }
0x12a: {  	v55 =	vadd.s32 v20, v27;
	v29 =	vor.u32 v7, v26;
	v28 =	vld.idx.msk [tilespmem:v30+s12+$0x0], $0xffff  }
0x12b: {  	v30 =	vadd.s32 v8, v55;
	_ =	sdelay $0x3  }
0x12c: {  	[tilespmem:v29+s15+$0x0] =	vst.idx.msk $0xffff, v28  }
0x12d: {  	v56 =	vadd.s32 v18, v27;
	v29 =	vor.u32 v9, v26;
	v28 =	vld.idx.msk [tilespmem:v30+s12+$0x0], $0xffff  }
0x12e: {  	v30 =	vadd.s32 v10, v56;
	_ =	sdelay $0x3  }
0x12f: {  	[tilespmem:v29+s15+$0x0] =	vst.idx.msk $0xffff, v28  }
0x130: {  	v57 =	vadd.s32 v17, v27;
	v29 =	vor.u32 v11, v26;
	v28 =	vld.idx.msk [tilespmem:v30+s12+$0x0], $0xffff  }
0x131: {  	v30 =	vadd.s32 v12, v57;
	_ =	sdelay $0x3  }
0x132: {  	[tilespmem:v29+s15+$0x0] =	vst.idx.msk $0xffff, v28  }
0x133: {  	v27 =	vadd.s32 v16, v27;
	v29 =	vor.u32 v13, v26;
	v28 =	vld.idx.msk [tilespmem:v30+s12+$0x0], $0xffff  }
0x134: {  	v27 =	vadd.s32 v14, v27;
	_ =	sdelay $0x3  }
0x135: {  	v25 =	vor.u32 $0x20, v25;
	[tilespmem:v29+s15+$0x0] =	vst.idx.msk $0xffff, v28  }
0x136: {  	v26 =	vor.u32 v15, v26;
	v28 =	vadd.s32 v23, v25;
	v27 =	vld.idx.msk [tilespmem:v27+s12+$0x0], $0xffff  }
0x137: {  	v28 =	vadd.s32 v1, v28;
	_ =	sdelay $0x3  }
0x138: {  	[tilespmem:v26+s15+$0x0] =	vst.idx.msk $0xffff, v27;
	v26 =	vshll.u32 v25, $0x7  }
0x139: {  	v29 =	vadd.s32 v22, v25;
	v27 =	vld.idx.msk [tilespmem:v28+s12+$0x0], $0xffff;
	v28 =	vor.u32 v0, v26  }
0x13a: {  	v29 =	vadd.s32 v2, v29;
	_ =	sdelay $0x3  }
0x13b: {  	[tilespmem:v28+s15+$0x0] =	vst.idx.msk $0xffff, v27  }
0x13c: {  	v28 =	vor.u32 v3, v26;
	v27 =	vld.idx.msk [tilespmem:v29+s12+$0x0], $0xffff;
	v29 =	vadd.s32 v21, v25  }
0x13d: {  	v29 =	vadd.s32 v4, v29;
	_ =	sdelay $0x3  }
0x13e: {  	[tilespmem:v28+s15+$0x0] =	vst.idx.msk $0xffff, v27  }
0x13f: {  	v28 =	vor.u32 v5, v26;
	v27 =	vld.idx.msk [tilespmem:v29+s12+$0x0], $0xffff;
	v29 =	vadd.s32 v19, v25  }
0x140: {  	v29 =	vadd.s32 v6, v29;
	_ =	sdelay $0x3  }
0x141: {  	[tilespmem:v28+s15+$0x0] =	vst.idx.msk $0xffff, v27  }
0x142: {  	v28 =	vor.u32 v7, v26;
	v27 =	vld.idx.msk [tilespmem:v29+s12+$0x0], $0xffff;
	v29 =	vadd.s32 v20, v25  }
0x143: {  	v29 =	vadd.s32 v8, v29;
	_ =	sdelay $0x3  }
0x144: {  	[tilespmem:v28+s15+$0x0] =	vst.idx.msk $0xffff, v27  }
0x145: {  	v28 =	vor.u32 v9, v26;
	v27 =	vld.idx.msk [tilespmem:v29+s12+$0x0], $0xffff;
	v29 =	vadd.s32 v18, v25  }
0x146: {  	v29 =	vadd.s32 v10, v29;
	_ =	sdelay $0x3  }
0x147: {  	[tilespmem:v28+s15+$0x0] =	vst.idx.msk $0xffff, v27  }
0x148: {  	v28 =	vor.u32 v11, v26;
	v27 =	vld.idx.msk [tilespmem:v29+s12+$0x0], $0xffff;
	v29 =	vadd.s32 v17, v25  }
0x149: {  	v29 =	vadd.s32 v12, v29;
	_ =	sdelay $0x3  }
0x14a: {  	[tilespmem:v28+s15+$0x0] =	vst.idx.msk $0xffff, v27  }
0x14b: {  	v25 =	vadd.s32 v16, v25;
	v28 =	vor.u32 v13, v26;
	v27 =	vld.idx.msk [tilespmem:v29+s12+$0x0], $0xffff  }
0x14c: {  	v25 =	vadd.s32 v14, v25;
	_ =	sdelay $0x3  }
0x14d: {  	v24 =	vor.u32 $0x30, v24;
	[tilespmem:v28+s15+$0x0] =	vst.idx.msk $0xffff, v27  }
0x14e: {  	v23 =	vadd.s32 v23, v24;
	v26 =	vor.u32 v15, v26;
	v25 =	vld.idx.msk [tilespmem:v25+s12+$0x0], $0xffff  }
0x14f: {  	v23 =	vadd.s32 v1, v23;
	_ =	sdelay $0x3  }
0x150: {  	[tilespmem:v26+s15+$0x0] =	vst.idx.msk $0xffff, v25;
	v25 =	vshll.u32 v24, $0x7  }
0x151: {  	v22 =	vadd.s32 v22, v24;
	v23 =	vld.idx.msk [tilespmem:v23+s12+$0x0], $0xffff;
	v26 =	vor.u32 v0, v25  }
0x152: {  	v22 =	vadd.s32 v2, v22;
	_ =	sdelay $0x3  }
0x153: {  	[tilespmem:v26+s15+$0x0] =	vst.idx.msk $0xffff, v23  }
0x154: {  	v21 =	vadd.s32 v21, v24;
	v23 =	vor.u32 v3, v25;
	v22 =	vld.idx.msk [tilespmem:v22+s12+$0x0], $0xffff  }
0x155: {  	v21 =	vadd.s32 v4, v21;
	_ =	sdelay $0x3  }
0x156: {  	[tilespmem:v23+s15+$0x0] =	vst.idx.msk $0xffff, v22  }
0x157: {  	v19 =	vadd.s32 v19, v24;
	v22 =	vor.u32 v5, v25;
	v21 =	vld.idx.msk [tilespmem:v21+s12+$0x0], $0xffff  }
0x158: {  	v19 =	vadd.s32 v6, v19;
	_ =	sdelay $0x3  }
0x159: {  	[tilespmem:v22+s15+$0x0] =	vst.idx.msk $0xffff, v21  }
0x15a: {  	v20 =	vadd.s32 v20, v24;
	v21 =	vor.u32 v7, v25;
	v19 =	vld.idx.msk [tilespmem:v19+s12+$0x0], $0xffff  }
0x15b: {  	v20 =	vadd.s32 v8, v20;
	_ =	sdelay $0x3  }
0x15c: {  	[tilespmem:v21+s15+$0x0] =	vst.idx.msk $0xffff, v19  }
0x15d: {  	v18 =	vadd.s32 v18, v24;
	v19 =	vld.idx.msk [tilespmem:v20+s12+$0x0], $0xffff;
	v20 =	vor.u32 v9, v25  }
0x15e: {  	v18 =	vadd.s32 v10, v18;
	_ =	sdelay $0x3  }
0x15f: {  	[tilespmem:v20+s15+$0x0] =	vst.idx.msk $0xffff, v19  }
0x160: {  	v17 =	vadd.s32 v17, v24;
	v19 =	vor.u32 v11, v25;
	v18 =	vld.idx.msk [tilespmem:v18+s12+$0x0], $0xffff  }
0x161: {  	v17 =	vadd.s32 v12, v17;
	_ =	sdelay $0x3  }
0x162: {  	[tilespmem:v19+s15+$0x0] =	vst.idx.msk $0xffff, v18  }
0x163: {  	v16 =	vadd.s32 v16, v24;
	v18 =	vor.u32 v13, v25;
	v17 =	vld.idx.msk [tilespmem:v17+s12+$0x0], $0xffff  }
0x164: {  	v16 =	vadd.s32 v14, v16;
	_ =	sdelay $0x3  }
0x165: {  	[tilespmem:v18+s15+$0x0] =	vst.idx.msk $0xffff, v17  }
0x166: {  	v17 =	vor.u32 v15, v25;
	v16 =	vld.idx.msk [tilespmem:v16+s12+$0x0], $0xffff  }
0x167: {  	s23 =	sadd.s32 s5, s23  }
0x168: {  	s24 =	sshll.u32 s23, $0x7  }
0x169: {  	s23 =	sshll.u32 s23, $0xA;
	s24 =	sand.u32 $0x3F00, s24  }
0x16a: {  	s23 =	sand.u32 $0xFFE0000, s23;
	s24 =	sadd.s32 s2, s24  }
0x16b: {  	p0 =	seq.s32 s19, $0x27;
	s23 =	sadd.s32 s23, s24;
	[tilespmem:v17+s15+$0x0] =	vst.idx.msk $0xffff, v16  }
0x16c: {  	[hbm4b:s23+s16] =	stream.strided.scatter [tilespmem:s15], [sflag:$0x2], $0x2000, s17, s16, $0x38;
	[tilespmem:$0xF000] =	vst v63  }
0x16d: {  	s22 =	sshrl.u32 @!p0 s22, $0x2;
	_ =	swait.ge [sflag:s9], $0x2000  }
0x16e: {  	s22 =	sadd.s32 @!p0 $0x100, s22;
	[sflag:s9] =	ssyncset.done $0x0  }
0x16f: {  	s24 =	simm.s32 @!p0 $0x5000;
	s23 =	simm.s32 @!p0 $0x80;
	[sflag:s9] =	ssyncadd.s32 $0xFFFFE000  }
0x170: {  	[tilespmem:s24], [sflag:$0x1] =	stream.indirect.gather @!p0 [hbm4b:s4+s23], $0x80, s22, s23, $0xb8;
	[tilespmem:$0xF000] =	vst v63  }
0x171: {  	_ =	swait.ge [sflag:s14], $0x4000  }
0x172: {  	[sflag:s14] =	ssyncset.done $0x0  }
0x173: {  	[sflag:s14] =	ssyncadd.s32 $0xFFFFC000  }
0x174: {  	v23 =	vld [tilespmem:s21+$0x2800];
	_ =	sdelay $0x1  }
0x175: {  	s30 =	simm.s32 $0x0  }
0x176: {  	v24 =	vadd.s32 s30, v0  }
0x177: {  	v25 =	vand.u32 $0xF, v24  }
0x178: {  	v16 =	vadd.s32 v23, v25  }
0x179: {  	v22 =	vld [tilespmem:s21+$0x2810];
	v16 =	vadd.s32 v1, v16;
	_ =	sdelay $0x3  }
0x17a: {  	v26 =	vshll.u32 v25, $0x7;
	v21 =	vld [tilespmem:s21+$0x2820]  }
0x17b: {  	v28 =	vor.u32 v0, v26;
	v27 =	vld.idx.msk [tilespmem:v16+s13+$0x0], $0xffff;
	v16 =	vadd.s32 v22, v25  }
0x17c: {  	v19 =	vld [tilespmem:s21+$0x2830];
	v29 =	vadd.s32 v2, v16  }
0x17d: {  	v20 =	vld [tilespmem:s21+$0x2840]  }
0x17e: {  	v18 =	vld [tilespmem:s21+$0x2850]  }
0x17f: {  	v17 =	vld [tilespmem:s21+$0x2860]  }
0x180: {  	v16 =	vld [tilespmem:s21+$0x2870];
	[tilespmem:v28+s15+$0x0] =	vst.idx.msk $0xffff, v27  }
0x181: {  	v28 =	vor.u32 v3, v26;
	v27 =	vld.idx.msk [tilespmem:v29+s13+$0x0], $0xffff;
	v29 =	vadd.s32 v21, v25  }
0x182: {  	v29 =	vadd.s32 v4, v29;
	_ =	sdelay $0x3  }
0x183: {  	[tilespmem:v28+s15+$0x0] =	vst.idx.msk $0xffff, v27  }
0x184: {  	v28 =	vor.u32 v5, v26;
	v27 =	vld.idx.msk [tilespmem:v29+s13+$0x0], $0xffff;
	v29 =	vadd.s32 v19, v25  }
0x185: {  	v29 =	vadd.s32 v6, v29;
	_ =	sdelay $0x3  }
0x186: {  	[tilespmem:v28+s15+$0x0] =	vst.idx.msk $0xffff, v27  }
0x187: {  	v28 =	vor.u32 v7, v26;
	v27 =	vld.idx.msk [tilespmem:v29+s13+$0x0], $0xffff;
	v29 =	vadd.s32 v20, v25  }
0x188: {  	v29 =	vadd.s32 v8, v29;
	_ =	sdelay $0x3  }
0x189: {  	[tilespmem:v28+s15+$0x0] =	vst.idx.msk $0xffff, v27  }
0x18a: {  	v28 =	vor.u32 v9, v26;
	v27 =	vld.idx.msk [tilespmem:v29+s13+$0x0], $0xffff;
	v29 =	vadd.s32 v18, v25  }
0x18b: {  	v29 =	vadd.s32 v10, v29;
	_ =	sdelay $0x3  }
0x18c: {  	[tilespmem:v28+s15+$0x0] =	vst.idx.msk $0xffff, v27  }
0x18d: {  	v28 =	vor.u32 v11, v26;
	v27 =	vld.idx.msk [tilespmem:v29+s13+$0x0], $0xffff;
	v29 =	vadd.s32 v17, v25  }
0x18e: {  	v29 =	vadd.s32 v12, v29;
	_ =	sdelay $0x3  }
0x18f: {  	[tilespmem:v28+s15+$0x0] =	vst.idx.msk $0xffff, v27  }
0x190: {  	v28 =	vor.u32 v13, v26;
	v27 =	vld.idx.msk [tilespmem:v29+s13+$0x0], $0xffff;
	v29 =	vadd.s32 v16, v25  }
0x191: {  	v29 =	vadd.s32 v14, v29;
	_ =	sdelay $0x3  }
0x192: {  	[tilespmem:v28+s15+$0x0] =	vst.idx.msk $0xffff, v27;
	v27 =	vor.u32 $0x10, v24  }
0x193: {  	v26 =	vor.u32 v15, v26;
	v28 =	vld.idx.msk [tilespmem:v29+s13+$0x0], $0xffff;
	v29 =	vadd.s32 v23, v27  }
0x194: {  	v29 =	vadd.s32 v1, v29;
	_ =	sdelay $0x3  }
0x195: {  	[tilespmem:v26+s15+$0x0] =	vst.idx.msk $0xffff, v28;
	v26 =	vshll.u32 v27, $0x7  }
0x196: {  	v58 =	vadd.s32 v22, v27;
	v28 =	vld.idx.msk [tilespmem:v29+s13+$0x0], $0xffff;
	v29 =	vor.u32 v0, v26  }
0x197: {  	v30 =	vadd.s32 v2, v58;
	_ =	sdelay $0x3  }
0x198: {  	[tilespmem:v29+s15+$0x0] =	vst.idx.msk $0xffff, v28  }
0x199: {  	v59 =	vadd.s32 v21, v27;
	v29 =	vor.u32 v3, v26;
	v28 =	vld.idx.msk [tilespmem:v30+s13+$0x0], $0xffff  }
0x19a: {  	v30 =	vadd.s32 v4, v59;
	_ =	sdelay $0x3  }
0x19b: {  	[tilespmem:v29+s15+$0x0] =	vst.idx.msk $0xffff, v28  }
0x19c: {  	v60 =	vadd.s32 v19, v27;
	v29 =	vor.u32 v5, v26;
	v28 =	vld.idx.msk [tilespmem:v30+s13+$0x0], $0xffff  }
0x19d: {  	v30 =	vadd.s32 v6, v60;
	_ =	sdelay $0x3  }
0x19e: {  	[tilespmem:v29+s15+$0x0] =	vst.idx.msk $0xffff, v28  }
0x19f: {  	v61 =	vadd.s32 v20, v27;
	v29 =	vor.u32 v7, v26;
	v28 =	vld.idx.msk [tilespmem:v30+s13+$0x0], $0xffff  }
0x1a0: {  	v30 =	vadd.s32 v8, v61;
	_ =	sdelay $0x3  }
0x1a1: {  	[tilespmem:v29+s15+$0x0] =	vst.idx.msk $0xffff, v28  }
0x1a2: {  	v62 =	vadd.s32 v18, v27;
	v29 =	vor.u32 v9, v26;
	v28 =	vld.idx.msk [tilespmem:v30+s13+$0x0], $0xffff  }
0x1a3: {  	v30 =	vadd.s32 v10, v62;
	_ =	sdelay $0x3  }
0x1a4: {  	[tilespmem:v29+s15+$0x0] =	vst.idx.msk $0xffff, v28  }
0x1a5: {  	v63 =	vadd.s32 v17, v27;
	v29 =	vor.u32 v11, v26;
	v28 =	vld.idx.msk [tilespmem:v30+s13+$0x0], $0xffff  }
0x1a6: {  	v30 =	vadd.s32 v12, v63;
	_ =	sdelay $0x3  }
0x1a7: {  	[tilespmem:v29+s15+$0x0] =	vst.idx.msk $0xffff, v28  }
0x1a8: {  	v27 =	vadd.s32 v16, v27;
	v29 =	vor.u32 v13, v26;
	v28 =	vld.idx.msk [tilespmem:v30+s13+$0x0], $0xffff  }
0x1a9: {  	v27 =	vadd.s32 v14, v27;
	_ =	sdelay $0x3  }
0x1aa: {  	v25 =	vor.u32 $0x20, v25;
	[tilespmem:v29+s15+$0x0] =	vst.idx.msk $0xffff, v28  }
0x1ab: {  	v26 =	vor.u32 v15, v26;
	v28 =	vadd.s32 v23, v25;
	v27 =	vld.idx.msk [tilespmem:v27+s13+$0x0], $0xffff  }
0x1ac: {  	v28 =	vadd.s32 v1, v28;
	_ =	sdelay $0x3  }
0x1ad: {  	[tilespmem:v26+s15+$0x0] =	vst.idx.msk $0xffff, v27;
	v26 =	vshll.u32 v25, $0x7  }
0x1ae: {  	v29 =	vadd.s32 v22, v25;
	v27 =	vld.idx.msk [tilespmem:v28+s13+$0x0], $0xffff;
	v28 =	vor.u32 v0, v26  }
0x1af: {  	v29 =	vadd.s32 v2, v29;
	_ =	sdelay $0x3  }
0x1b0: {  	[tilespmem:v28+s15+$0x0] =	vst.idx.msk $0xffff, v27  }
0x1b1: {  	v28 =	vor.u32 v3, v26;
	v27 =	vld.idx.msk [tilespmem:v29+s13+$0x0], $0xffff;
	v29 =	vadd.s32 v21, v25  }
0x1b2: {  	v29 =	vadd.s32 v4, v29;
	_ =	sdelay $0x3  }
0x1b3: {  	[tilespmem:v28+s15+$0x0] =	vst.idx.msk $0xffff, v27  }
0x1b4: {  	v28 =	vor.u32 v5, v26;
	v27 =	vld.idx.msk [tilespmem:v29+s13+$0x0], $0xffff;
	v29 =	vadd.s32 v19, v25  }
0x1b5: {  	v29 =	vadd.s32 v6, v29;
	_ =	sdelay $0x3  }
0x1b6: {  	[tilespmem:v28+s15+$0x0] =	vst.idx.msk $0xffff, v27  }
0x1b7: {  	v28 =	vor.u32 v7, v26;
	v27 =	vld.idx.msk [tilespmem:v29+s13+$0x0], $0xffff;
	v29 =	vadd.s32 v20, v25  }
0x1b8: {  	v29 =	vadd.s32 v8, v29;
	_ =	sdelay $0x3  }
0x1b9: {  	[tilespmem:v28+s15+$0x0] =	vst.idx.msk $0xffff, v27  }
0x1ba: {  	v28 =	vor.u32 v9, v26;
	v27 =	vld.idx.msk [tilespmem:v29+s13+$0x0], $0xffff;
	v29 =	vadd.s32 v18, v25  }
0x1bb: {  	v29 =	vadd.s32 v10, v29;
	_ =	sdelay $0x3  }
0x1bc: {  	[tilespmem:v28+s15+$0x0] =	vst.idx.msk $0xffff, v27  }
0x1bd: {  	v28 =	vor.u32 v11, v26;
	v27 =	vld.idx.msk [tilespmem:v29+s13+$0x0], $0xffff;
	v29 =	vadd.s32 v17, v25  }
0x1be: {  	v29 =	vadd.s32 v12, v29;
	_ =	sdelay $0x3  }
0x1bf: {  	[tilespmem:v28+s15+$0x0] =	vst.idx.msk $0xffff, v27  }
0x1c0: {  	v25 =	vadd.s32 v16, v25;
	v28 =	vor.u32 v13, v26;
	v27 =	vld.idx.msk [tilespmem:v29+s13+$0x0], $0xffff  }
0x1c1: {  	v25 =	vadd.s32 v14, v25;
	_ =	sdelay $0x3  }
0x1c2: {  	v24 =	vor.u32 $0x30, v24;
	[tilespmem:v28+s15+$0x0] =	vst.idx.msk $0xffff, v27  }
0x1c3: {  	v26 =	vor.u32 v15, v26;
	v27 =	vadd.s32 v23, v24;
	v25 =	vld.idx.msk [tilespmem:v25+s13+$0x0], $0xffff  }
0x1c4: {  	v27 =	vadd.s32 v1, v27;
	_ =	sdelay $0x3  }
0x1c5: {  	[tilespmem:v26+s15+$0x0] =	vst.idx.msk $0xffff, v25;
	v26 =	vshll.u32 v24, $0x7  }
0x1c6: {  	v28 =	vadd.s32 v22, v24;
	v25 =	vld.idx.msk [tilespmem:v27+s13+$0x0], $0xffff;
	v27 =	vor.u32 v0, v26  }
0x1c7: {  	v28 =	vadd.s32 v2, v28;
	_ =	sdelay $0x3  }
0x1c8: {  	[tilespmem:v27+s15+$0x0] =	vst.idx.msk $0xffff, v25  }
0x1c9: {  	v27 =	vor.u32 v3, v26;
	v25 =	vld.idx.msk [tilespmem:v28+s13+$0x0], $0xffff;
	v28 =	vadd.s32 v21, v24  }
0x1ca: {  	v28 =	vadd.s32 v4, v28;
	_ =	sdelay $0x3  }
0x1cb: {  	[tilespmem:v27+s15+$0x0] =	vst.idx.msk $0xffff, v25  }
0x1cc: {  	v27 =	vor.u32 v5, v26;
	v25 =	vld.idx.msk [tilespmem:v28+s13+$0x0], $0xffff;
	v28 =	vadd.s32 v19, v24  }
0x1cd: {  	v28 =	vadd.s32 v6, v28;
	_ =	sdelay $0x3  }
0x1ce: {  	[tilespmem:v27+s15+$0x0] =	vst.idx.msk $0xffff, v25  }
0x1cf: {  	v27 =	vor.u32 v7, v26;
	v25 =	vld.idx.msk [tilespmem:v28+s13+$0x0], $0xffff;
	v28 =	vadd.s32 v20, v24  }
0x1d0: {  	v28 =	vadd.s32 v8, v28;
	_ =	sdelay $0x3  }
0x1d1: {  	[tilespmem:v27+s15+$0x0] =	vst.idx.msk $0xffff, v25  }
0x1d2: {  	v27 =	vor.u32 v9, v26;
	v25 =	vld.idx.msk [tilespmem:v28+s13+$0x0], $0xffff;
	v28 =	vadd.s32 v18, v24  }
0x1d3: {  	v28 =	vadd.s32 v10, v28;
	_ =	sdelay $0x3  }
0x1d4: {  	[tilespmem:v27+s15+$0x0] =	vst.idx.msk $0xffff, v25  }
0x1d5: {  	v27 =	vor.u32 v11, v26;
	v25 =	vld.idx.msk [tilespmem:v28+s13+$0x0], $0xffff;
	v28 =	vadd.s32 v17, v24  }
0x1d6: {  	v28 =	vadd.s32 v12, v28;
	_ =	sdelay $0x3  }
0x1d7: {  	[tilespmem:v27+s15+$0x0] =	vst.idx.msk $0xffff, v25  }
0x1d8: {  	v24 =	vadd.s32 v16, v24;
	v25 =	vld.idx.msk [tilespmem:v28+s13+$0x0], $0xffff;
	v28 =	vor.u32 v13, v26  }
0x1d9: {  	v27 =	vadd.s32 v14, v24;
	_ =	sdelay $0x2  }
0x1da: {  	s31 =	simm.s32 $0x1  }
0x1db: {  	s21 =	simm.s32 $0x2;
	v24 =	vadd.s32 s31, v0;
	[tilespmem:v28+s15+$0x0] =	vst.idx.msk $0xffff, v25  }
.LBB2_5:
0x1dc: {  	p0 =	sne.s32 s21, $0xF;
	v25 =	vand.u32 $0xF, v24;
	v27 =	vld.idx.msk [tilespmem:v27+s13+$0x0], $0xffff  }
0x1dd: {  	v26 =	vor.u32 v15, v26;
	v28 =	vadd.s32 v23, v25  }
0x1de: {  	v28 =	vadd.s32 v1, v28;
	_ =	sdelay $0x3  }
0x1df: {  	[tilespmem:v26+s15+$0x0] =	vst.idx.msk $0xffff, v27  }
0x1e0: {  	v27 =	vshll.u32 v25, $0x7;
	v26 =	vld.idx.msk [tilespmem:v28+s13+$0x0], $0xffff  }
0x1e1: {  	v29 =	vadd.s32 v22, v25;
	v28 =	vor.u32 v0, v27  }
0x1e2: {  	v29 =	vadd.s32 v2, v29;
	_ =	sdelay $0x3  }
0x1e3: {  	[tilespmem:v28+s15+$0x0] =	vst.idx.msk $0xffff, v26  }
0x1e4: {  	v26 =	vld.idx.msk [tilespmem:v29+s13+$0x0], $0xffff  }
0x1e5: {  	v28 =	vor.u32 v3, v27;
	v29 =	vadd.s32 v21, v25  }
0x1e6: {  	v29 =	vadd.s32 v4, v29;
	_ =	sdelay $0x3  }
0x1e7: {  	[tilespmem:v28+s15+$0x0] =	vst.idx.msk $0xffff, v26  }
0x1e8: {  	v26 =	vld.idx.msk [tilespmem:v29+s13+$0x0], $0xffff  }
0x1e9: {  	v28 =	vor.u32 v5, v27;
	v29 =	vadd.s32 v19, v25  }
0x1ea: {  	v29 =	vadd.s32 v6, v29;
	_ =	sdelay $0x3  }
0x1eb: {  	[tilespmem:v28+s15+$0x0] =	vst.idx.msk $0xffff, v26  }
0x1ec: {  	v26 =	vld.idx.msk [tilespmem:v29+s13+$0x0], $0xffff  }
0x1ed: {  	v28 =	vor.u32 v7, v27;
	v29 =	vadd.s32 v20, v25  }
0x1ee: {  	v29 =	vadd.s32 v8, v29;
	_ =	sdelay $0x3  }
0x1ef: {  	[tilespmem:v28+s15+$0x0] =	vst.idx.msk $0xffff, v26  }
0x1f0: {  	v26 =	vld.idx.msk [tilespmem:v29+s13+$0x0], $0xffff  }
0x1f1: {  	v28 =	vor.u32 v9, v27;
	v29 =	vadd.s32 v18, v25  }
0x1f2: {  	v29 =	vadd.s32 v10, v29;
	_ =	sdelay $0x3  }
0x1f3: {  	[tilespmem:v28+s15+$0x0] =	vst.idx.msk $0xffff, v26  }
0x1f4: {  	v26 =	vld.idx.msk [tilespmem:v29+s13+$0x0], $0xffff  }
0x1f5: {  	v28 =	vor.u32 v11, v27;
	v29 =	vadd.s32 v17, v25  }
0x1f6: {  	v29 =	vadd.s32 v12, v29;
	_ =	sdelay $0x3  }
0x1f7: {  	[tilespmem:v28+s15+$0x0] =	vst.idx.msk $0xffff, v26  }
0x1f8: {  	v26 =	vld.idx.msk [tilespmem:v29+s13+$0x0], $0xffff  }
0x1f9: {  	v28 =	vor.u32 v13, v27;
	v29 =	vadd.s32 v16, v25  }
0x1fa: {  	v29 =	vadd.s32 v14, v29;
	_ =	sdelay $0x3  }
0x1fb: {  	[tilespmem:v28+s15+$0x0] =	vst.idx.msk $0xffff, v26  }
0x1fc: {  	v28 =	vor.u32 $0x10, v24;
	v26 =	vld.idx.msk [tilespmem:v29+s13+$0x0], $0xffff  }
0x1fd: {  	v27 =	vor.u32 v15, v27;
	v29 =	vadd.s32 v23, v28  }
0x1fe: {  	v29 =	vadd.s32 v1, v29;
	_ =	sdelay $0x3  }
0x1ff: {  	[tilespmem:v27+s15+$0x0] =	vst.idx.msk $0xffff, v26  }
0x200: {  	v27 =	vshll.u32 v28, $0x7;
	v26 =	vld.idx.msk [tilespmem:v29+s13+$0x0], $0xffff  }
0x201: {  	v30 =	vadd.s32 v22, v28;
	v29 =	vor.u32 v0, v27  }
0x202: {  	v30 =	vadd.s32 v2, v30;
	_ =	sdelay $0x3  }
0x203: {  	[tilespmem:v29+s15+$0x0] =	vst.idx.msk $0xffff, v26  }
0x204: {  	v26 =	vld.idx.msk [tilespmem:v30+s13+$0x0], $0xffff  }
0x205: {  	v29 =	vor.u32 v3, v27;
	v30 =	vadd.s32 v21, v28  }
0x206: {  	v30 =	vadd.s32 v4, v30;
	_ =	sdelay $0x3  }
0x207: {  	[tilespmem:v29+s15+$0x0] =	vst.idx.msk $0xffff, v26  }
0x208: {  	v26 =	vld.idx.msk [tilespmem:v30+s13+$0x0], $0xffff  }
0x209: {  	v29 =	vor.u32 v5, v27;
	v30 =	vadd.s32 v19, v28  }
0x20a: {  	v30 =	vadd.s32 v6, v30;
	_ =	sdelay $0x3  }
0x20b: {  	[tilespmem:v29+s15+$0x0] =	vst.idx.msk $0xffff, v26  }
0x20c: {  	v26 =	vld.idx.msk [tilespmem:v30+s13+$0x0], $0xffff  }
0x20d: {  	v29 =	vor.u32 v7, v27;
	v30 =	vadd.s32 v20, v28  }
0x20e: {  	v30 =	vadd.s32 v8, v30;
	_ =	sdelay $0x3  }
0x20f: {  	[tilespmem:v29+s15+$0x0] =	vst.idx.msk $0xffff, v26  }
0x210: {  	v26 =	vld.idx.msk [tilespmem:v30+s13+$0x0], $0xffff  }
0x211: {  	v29 =	vor.u32 v9, v27;
	v30 =	vadd.s32 v18, v28  }
0x212: {  	v30 =	vadd.s32 v10, v30;
	_ =	sdelay $0x3  }
0x213: {  	[tilespmem:v29+s15+$0x0] =	vst.idx.msk $0xffff, v26  }
0x214: {  	v26 =	vld.idx.msk [tilespmem:v30+s13+$0x0], $0xffff  }
0x215: {  	v29 =	vor.u32 v11, v27;
	v30 =	vadd.s32 v17, v28  }
0x216: {  	v30 =	vadd.s32 v12, v30;
	_ =	sdelay $0x3  }
0x217: {  	[tilespmem:v29+s15+$0x0] =	vst.idx.msk $0xffff, v26  }
0x218: {  	v26 =	vld.idx.msk [tilespmem:v30+s13+$0x0], $0xffff  }
0x219: {  	v28 =	vadd.s32 v16, v28;
	v29 =	vor.u32 v13, v27  }
0x21a: {  	v28 =	vadd.s32 v14, v28;
	_ =	sdelay $0x3  }
0x21b: {  	[tilespmem:v29+s15+$0x0] =	vst.idx.msk $0xffff, v26  }
0x21c: {  	v25 =	vor.u32 $0x20, v25;
	v26 =	vld.idx.msk [tilespmem:v28+s13+$0x0], $0xffff  }
0x21d: {  	v27 =	vor.u32 v15, v27;
	v28 =	vadd.s32 v23, v25  }
0x21e: {  	v28 =	vadd.s32 v1, v28;
	_ =	sdelay $0x3  }
0x21f: {  	[tilespmem:v27+s15+$0x0] =	vst.idx.msk $0xffff, v26  }
0x220: {  	v27 =	vshll.u32 v25, $0x7;
	v26 =	vld.idx.msk [tilespmem:v28+s13+$0x0], $0xffff  }
0x221: {  	v29 =	vadd.s32 v22, v25;
	v28 =	vor.u32 v0, v27  }
0x222: {  	v29 =	vadd.s32 v2, v29;
	_ =	sdelay $0x3  }
0x223: {  	[tilespmem:v28+s15+$0x0] =	vst.idx.msk $0xffff, v26  }
0x224: {  	v26 =	vld.idx.msk [tilespmem:v29+s13+$0x0], $0xffff  }
0x225: {  	v28 =	vor.u32 v3, v27;
	v29 =	vadd.s32 v21, v25  }
0x226: {  	v29 =	vadd.s32 v4, v29;
	_ =	sdelay $0x3  }
0x227: {  	[tilespmem:v28+s15+$0x0] =	vst.idx.msk $0xffff, v26  }
0x228: {  	v26 =	vld.idx.msk [tilespmem:v29+s13+$0x0], $0xffff  }
0x229: {  	v28 =	vor.u32 v5, v27;
	v29 =	vadd.s32 v19, v25  }
0x22a: {  	v29 =	vadd.s32 v6, v29;
	_ =	sdelay $0x3  }
0x22b: {  	[tilespmem:v28+s15+$0x0] =	vst.idx.msk $0xffff, v26  }
0x22c: {  	v26 =	vld.idx.msk [tilespmem:v29+s13+$0x0], $0xffff  }
0x22d: {  	v28 =	vor.u32 v7, v27;
	v29 =	vadd.s32 v20, v25  }
0x22e: {  	v29 =	vadd.s32 v8, v29;
	_ =	sdelay $0x3  }
0x22f: {  	[tilespmem:v28+s15+$0x0] =	vst.idx.msk $0xffff, v26  }
0x230: {  	v26 =	vld.idx.msk [tilespmem:v29+s13+$0x0], $0xffff  }
0x231: {  	v28 =	vor.u32 v9, v27;
	v29 =	vadd.s32 v18, v25  }
0x232: {  	v29 =	vadd.s32 v10, v29;
	_ =	sdelay $0x3  }
0x233: {  	[tilespmem:v28+s15+$0x0] =	vst.idx.msk $0xffff, v26  }
0x234: {  	v26 =	vld.idx.msk [tilespmem:v29+s13+$0x0], $0xffff  }
0x235: {  	v28 =	vor.u32 v11, v27;
	v29 =	vadd.s32 v17, v25  }
0x236: {  	v29 =	vadd.s32 v12, v29;
	_ =	sdelay $0x3  }
0x237: {  	[tilespmem:v28+s15+$0x0] =	vst.idx.msk $0xffff, v26  }
0x238: {  	v26 =	vld.idx.msk [tilespmem:v29+s13+$0x0], $0xffff  }
0x239: {  	v25 =	vadd.s32 v16, v25;
	v28 =	vor.u32 v13, v27  }
0x23a: {  	v25 =	vadd.s32 v14, v25;
	_ =	sdelay $0x3  }
0x23b: {  	[tilespmem:v28+s15+$0x0] =	vst.idx.msk $0xffff, v26  }
0x23c: {  	v24 =	vor.u32 $0x30, v24;
	v25 =	vld.idx.msk [tilespmem:v25+s13+$0x0], $0xffff  }
0x23d: {  	v26 =	vor.u32 v15, v27;
	v27 =	vadd.s32 v23, v24  }
0x23e: {  	v27 =	vadd.s32 v1, v27;
	_ =	sdelay $0x3  }
0x23f: {  	[tilespmem:v26+s15+$0x0] =	vst.idx.msk $0xffff, v25  }
0x240: {  	v26 =	vshll.u32 v24, $0x7;
	v25 =	vld.idx.msk [tilespmem:v27+s13+$0x0], $0xffff  }
0x241: {  	v28 =	vadd.s32 v22, v24;
	v27 =	vor.u32 v0, v26  }
0x242: {  	v28 =	vadd.s32 v2, v28;
	_ =	sdelay $0x3  }
0x243: {  	[tilespmem:v27+s15+$0x0] =	vst.idx.msk $0xffff, v25  }
0x244: {  	v25 =	vld.idx.msk [tilespmem:v28+s13+$0x0], $0xffff  }
0x245: {  	v27 =	vor.u32 v3, v26;
	v28 =	vadd.s32 v21, v24  }
0x246: {  	v28 =	vadd.s32 v4, v28;
	_ =	sdelay $0x3  }
0x247: {  	[tilespmem:v27+s15+$0x0] =	vst.idx.msk $0xffff, v25  }
0x248: {  	v25 =	vld.idx.msk [tilespmem:v28+s13+$0x0], $0xffff  }
0x249: {  	v27 =	vor.u32 v5, v26;
	v28 =	vadd.s32 v19, v24  }
0x24a: {  	v28 =	vadd.s32 v6, v28;
	_ =	sdelay $0x3  }
0x24b: {  	[tilespmem:v27+s15+$0x0] =	vst.idx.msk $0xffff, v25  }
0x24c: {  	v25 =	vld.idx.msk [tilespmem:v28+s13+$0x0], $0xffff  }
0x24d: {  	v27 =	vor.u32 v7, v26;
	v28 =	vadd.s32 v20, v24  }
0x24e: {  	v28 =	vadd.s32 v8, v28;
	_ =	sdelay $0x3  }
0x24f: {  	[tilespmem:v27+s15+$0x0] =	vst.idx.msk $0xffff, v25  }
0x250: {  	v25 =	vld.idx.msk [tilespmem:v28+s13+$0x0], $0xffff  }
0x251: {  	v27 =	vor.u32 v9, v26;
	v28 =	vadd.s32 v18, v24  }
0x252: {  	v28 =	vadd.s32 v10, v28;
	_ =	sdelay $0x3  }
0x253: {  	[tilespmem:v27+s15+$0x0] =	vst.idx.msk $0xffff, v25  }
0x254: {  	v25 =	vld.idx.msk [tilespmem:v28+s13+$0x0], $0xffff  }
0x255: {  	v27 =	vor.u32 v11, v26;
	v28 =	vadd.s32 v17, v24  }
0x256: {  	v28 =	vadd.s32 v12, v28;
	_ =	sdelay $0x3  }
0x257: {  	[tilespmem:v27+s15+$0x0] =	vst.idx.msk $0xffff, v25  }
0x258: {  	v25 =	vld.idx.msk [tilespmem:v28+s13+$0x0], $0xffff  }
0x259: {  	v24 =	vadd.s32 v16, v24;
	v28 =	vor.u32 v13, v26  }
.Ltmp1:
0x25a: {  	v27 =	vadd.s32 v14, v24;
	(pc) =	sbr.rel @p0 .LBB2_5-.Ltmp1, $2  }
0x25b: {  	_ =	sdelay $0x2  }
0x25c: {  	v24 =	vadd.s32 s21, v0;
	s21 =	sadd.s32 $0x1, s21;
	[tilespmem:v28+s15+$0x0] =	vst.idx.msk $0xffff, v25  }
0x25d: {  	_ =	sdelay $0x2  }
0x25e: {  	v25 =	vand.u32 $0xF, v24  }
0x25f: {  	v27 =	vld.idx.msk [tilespmem:v27+s13+$0x0], $0xffff;
	v26 =	vor.u32 v15, v26;
	v28 =	vadd.s32 v23, v25  }
0x260: {  	v28 =	vadd.s32 v1, v28;
	_ =	sdelay $0x3  }
0x261: {  	v36 =	vshll.u32 v25, $0x7;
	[tilespmem:v26+s15+$0x0] =	vst.idx.msk $0xffff, v27  }
0x262: {  	v29 =	vadd.s32 v22, v25;
	v37 =	vor.u32 v0, v36;
	v27 =	vld.idx.msk [tilespmem:v28+s13+$0x0], $0xffff  }
0x263: {  	v29 =	vadd.s32 v2, v29;
	_ =	sdelay $0x3  }
0x264: {  	[tilespmem:v37+s15+$0x0] =	vst.idx.msk $0xffff, v27  }
0x265: {  	v39 =	vadd.s32 v21, v25;
	v38 =	vor.u32 v3, v36;
	v27 =	vld.idx.msk [tilespmem:v29+s13+$0x0], $0xffff  }
0x266: {  	v29 =	vadd.s32 v4, v39;
	_ =	sdelay $0x3  }
0x267: {  	[tilespmem:v38+s15+$0x0] =	vst.idx.msk $0xffff, v27  }
0x268: {  	v41 =	vadd.s32 v19, v25;
	v40 =	vor.u32 v5, v36;
	v27 =	vld.idx.msk [tilespmem:v29+s13+$0x0], $0xffff  }
0x269: {  	v29 =	vadd.s32 v6, v41;
	_ =	sdelay $0x3  }
0x26a: {  	[tilespmem:v40+s15+$0x0] =	vst.idx.msk $0xffff, v27  }
0x26b: {  	v43 =	vadd.s32 v20, v25;
	v42 =	vor.u32 v7, v36;
	v27 =	vld.idx.msk [tilespmem:v29+s13+$0x0], $0xffff  }
0x26c: {  	v29 =	vadd.s32 v8, v43;
	_ =	sdelay $0x3  }
0x26d: {  	[tilespmem:v42+s15+$0x0] =	vst.idx.msk $0xffff, v27  }
0x26e: {  	v45 =	vadd.s32 v18, v25;
	v44 =	vor.u32 v9, v36;
	v27 =	vld.idx.msk [tilespmem:v29+s13+$0x0], $0xffff  }
0x26f: {  	v29 =	vadd.s32 v10, v45;
	_ =	sdelay $0x3  }
0x270: {  	[tilespmem:v44+s15+$0x0] =	vst.idx.msk $0xffff, v27  }
0x271: {  	v47 =	vadd.s32 v17, v25;
	v46 =	vor.u32 v11, v36;
	v27 =	vld.idx.msk [tilespmem:v29+s13+$0x0], $0xffff  }
0x272: {  	v29 =	vadd.s32 v12, v47;
	_ =	sdelay $0x3  }
0x273: {  	[tilespmem:v46+s15+$0x0] =	vst.idx.msk $0xffff, v27  }
0x274: {  	v49 =	vadd.s32 v16, v25;
	v48 =	vor.u32 v13, v36;
	v27 =	vld.idx.msk [tilespmem:v29+s13+$0x0], $0xffff  }
0x275: {  	v29 =	vadd.s32 v14, v49;
	_ =	sdelay $0x3  }
0x276: {  	v50 =	vor.u32 $0x10, v24;
	[tilespmem:v48+s15+$0x0] =	vst.idx.msk $0xffff, v27  }
0x277: {  	v51 =	vadd.s32 v23, v50;
	v26 =	vor.u32 v15, v36;
	v28 =	vld.idx.msk [tilespmem:v29+s13+$0x0], $0xffff  }
0x278: {  	v29 =	vadd.s32 v1, v51;
	_ =	sdelay $0x3  }
0x279: {  	v52 =	vshll.u32 v50, $0x7;
	[tilespmem:v26+s15+$0x0] =	vst.idx.msk $0xffff, v28  }
0x27a: {  	v30 =	vadd.s32 v22, v50;
	v53 =	vor.u32 v0, v52;
	v28 =	vld.idx.msk [tilespmem:v29+s13+$0x0], $0xffff  }
0x27b: {  	v30 =	vadd.s32 v2, v30;
	_ =	sdelay $0x3  }
0x27c: {  	[tilespmem:v53+s15+$0x0] =	vst.idx.msk $0xffff, v28  }
0x27d: {  	v55 =	vadd.s32 v21, v50;
	v54 =	vor.u32 v3, v52;
	v28 =	vld.idx.msk [tilespmem:v30+s13+$0x0], $0xffff  }
0x27e: {  	v30 =	vadd.s32 v4, v55;
	_ =	sdelay $0x3  }
0x27f: {  	[tilespmem:v54+s15+$0x0] =	vst.idx.msk $0xffff, v28  }
0x280: {  	v57 =	vadd.s32 v19, v50;
	v56 =	vor.u32 v5, v52;
	v28 =	vld.idx.msk [tilespmem:v30+s13+$0x0], $0xffff  }
0x281: {  	v30 =	vadd.s32 v6, v57;
	_ =	sdelay $0x3  }
0x282: {  	[tilespmem:v56+s15+$0x0] =	vst.idx.msk $0xffff, v28  }
0x283: {  	v59 =	vadd.s32 v20, v50;
	v58 =	vor.u32 v7, v52;
	v28 =	vld.idx.msk [tilespmem:v30+s13+$0x0], $0xffff  }
0x284: {  	v30 =	vadd.s32 v8, v59;
	_ =	sdelay $0x3  }
0x285: {  	[tilespmem:v58+s15+$0x0] =	vst.idx.msk $0xffff, v28  }
0x286: {  	v61 =	vadd.s32 v18, v50;
	v60 =	vor.u32 v9, v52;
	v28 =	vld.idx.msk [tilespmem:v30+s13+$0x0], $0xffff  }
0x287: {  	v30 =	vadd.s32 v10, v61;
	_ =	sdelay $0x3  }
0x288: {  	[tilespmem:v60+s15+$0x0] =	vst.idx.msk $0xffff, v28  }
0x289: {  	v63 =	vadd.s32 v17, v50;
	v62 =	vor.u32 v11, v52;
	v28 =	vld.idx.msk [tilespmem:v30+s13+$0x0], $0xffff  }
0x28a: {  	v30 =	vadd.s32 v12, v63;
	_ =	sdelay $0x3  }
0x28b: {  	[tilespmem:v62+s15+$0x0] =	vst.idx.msk $0xffff, v28  }
0x28c: {  	v33 =	vor.u32 v13, v52;
	v27 =	vadd.s32 v16, v50;
	v28 =	vld.idx.msk [tilespmem:v30+s13+$0x0], $0xffff  }
0x28d: {  	v27 =	vadd.s32 v14, v27;
	_ =	sdelay $0x3  }
0x28e: {  	v25 =	vor.u32 $0x20, v25;
	[tilespmem:v33+s15+$0x0] =	vst.idx.msk $0xffff, v28  }
0x28f: {  	v34 =	vadd.s32 v23, v25;
	v26 =	vor.u32 v15, v52;
	v27 =	vld.idx.msk [tilespmem:v27+s13+$0x0], $0xffff  }
0x290: {  	v28 =	vadd.s32 v1, v34;
	_ =	sdelay $0x3  }
0x291: {  	v35 =	vshll.u32 v25, $0x7;
	[tilespmem:v26+s15+$0x0] =	vst.idx.msk $0xffff, v27  }
0x292: {  	v36 =	vor.u32 v0, v35;
	v37 =	vadd.s32 v22, v25;
	v27 =	vld.idx.msk [tilespmem:v28+s13+$0x0], $0xffff  }
0x293: {  	v29 =	vadd.s32 v2, v37;
	_ =	sdelay $0x3  }
0x294: {  	[tilespmem:v36+s15+$0x0] =	vst.idx.msk $0xffff, v27  }
0x295: {  	v39 =	vadd.s32 v21, v25;
	v38 =	vor.u32 v3, v35;
	v27 =	vld.idx.msk [tilespmem:v29+s13+$0x0], $0xffff  }
0x296: {  	v29 =	vadd.s32 v4, v39;
	_ =	sdelay $0x3  }
0x297: {  	[tilespmem:v38+s15+$0x0] =	vst.idx.msk $0xffff, v27  }
0x298: {  	v41 =	vadd.s32 v19, v25;
	v40 =	vor.u32 v5, v35;
	v27 =	vld.idx.msk [tilespmem:v29+s13+$0x0], $0xffff  }
0x299: {  	v29 =	vadd.s32 v6, v41;
	_ =	sdelay $0x3  }
0x29a: {  	[tilespmem:v40+s15+$0x0] =	vst.idx.msk $0xffff, v27  }
0x29b: {  	v43 =	vadd.s32 v20, v25;
	v42 =	vor.u32 v7, v35;
	v27 =	vld.idx.msk [tilespmem:v29+s13+$0x0], $0xffff  }
0x29c: {  	v29 =	vadd.s32 v8, v43;
	_ =	sdelay $0x3  }
0x29d: {  	[tilespmem:v42+s15+$0x0] =	vst.idx.msk $0xffff, v27  }
0x29e: {  	v45 =	vadd.s32 v18, v25;
	v44 =	vor.u32 v9, v35;
	v27 =	vld.idx.msk [tilespmem:v29+s13+$0x0], $0xffff  }
0x29f: {  	v29 =	vadd.s32 v10, v45;
	_ =	sdelay $0x3  }
0x2a0: {  	[tilespmem:v44+s15+$0x0] =	vst.idx.msk $0xffff, v27  }
0x2a1: {  	v47 =	vadd.s32 v17, v25;
	v46 =	vor.u32 v11, v35;
	v27 =	vld.idx.msk [tilespmem:v29+s13+$0x0], $0xffff  }
0x2a2: {  	v29 =	vadd.s32 v12, v47;
	_ =	sdelay $0x3  }
0x2a3: {  	[tilespmem:v46+s15+$0x0] =	vst.idx.msk $0xffff, v27  }
0x2a4: {  	v25 =	vadd.s32 v16, v25;
	v48 =	vor.u32 v13, v35;
	v27 =	vld.idx.msk [tilespmem:v29+s13+$0x0], $0xffff  }
0x2a5: {  	v25 =	vadd.s32 v14, v25;
	_ =	sdelay $0x3  }
0x2a6: {  	v49 =	vor.u32 $0x30, v24;
	[tilespmem:v48+s15+$0x0] =	vst.idx.msk $0xffff, v27  }
0x2a7: {  	v50 =	vadd.s32 v23, v49;
	v26 =	vor.u32 v15, v35;
	v25 =	vld.idx.msk [tilespmem:v25+s13+$0x0], $0xffff  }
0x2a8: {  	v23 =	vadd.s32 v1, v50;
	_ =	sdelay $0x3  }
0x2a9: {  	v51 =	vshll.u32 v49, $0x7;
	[tilespmem:v26+s15+$0x0] =	vst.idx.msk $0xffff, v25  }
0x2aa: {  	v52 =	vor.u32 v0, v51;
	v53 =	vadd.s32 v22, v49;
	v23 =	vld.idx.msk [tilespmem:v23+s13+$0x0], $0xffff  }
0x2ab: {  	v22 =	vadd.s32 v2, v53;
	_ =	sdelay $0x3  }
0x2ac: {  	[tilespmem:v52+s15+$0x0] =	vst.idx.msk $0xffff, v23  }
0x2ad: {  	v55 =	vadd.s32 v21, v49;
	v54 =	vor.u32 v3, v51;
	v22 =	vld.idx.msk [tilespmem:v22+s13+$0x0], $0xffff  }
0x2ae: {  	v21 =	vadd.s32 v4, v55;
	_ =	sdelay $0x3  }
0x2af: {  	[tilespmem:v54+s15+$0x0] =	vst.idx.msk $0xffff, v22  }
0x2b0: {  	v57 =	vadd.s32 v19, v49;
	v56 =	vor.u32 v5, v51;
	v21 =	vld.idx.msk [tilespmem:v21+s13+$0x0], $0xffff  }
0x2b1: {  	v19 =	vadd.s32 v6, v57;
	_ =	sdelay $0x3  }
0x2b2: {  	[tilespmem:v56+s15+$0x0] =	vst.idx.msk $0xffff, v21  }
0x2b3: {  	v59 =	vadd.s32 v20, v49;
	v58 =	vor.u32 v7, v51;
	v19 =	vld.idx.msk [tilespmem:v19+s13+$0x0], $0xffff  }
0x2b4: {  	v20 =	vadd.s32 v8, v59;
	_ =	sdelay $0x3  }
0x2b5: {  	[tilespmem:v58+s15+$0x0] =	vst.idx.msk $0xffff, v19  }
0x2b6: {  	v61 =	vadd.s32 v18, v49;
	v60 =	vor.u32 v9, v51;
	v19 =	vld.idx.msk [tilespmem:v20+s13+$0x0], $0xffff  }
0x2b7: {  	v18 =	vadd.s32 v10, v61;
	_ =	sdelay $0x3  }
0x2b8: {  	[tilespmem:v60+s15+$0x0] =	vst.idx.msk $0xffff, v19  }
0x2b9: {  	v17 =	vadd.s32 v17, v49;
	v62 =	vor.u32 v11, v51;
	v18 =	vld.idx.msk [tilespmem:v18+s13+$0x0], $0xffff  }
0x2ba: {  	v17 =	vadd.s32 v12, v17;
	_ =	sdelay $0x3  }
0x2bb: {  	[tilespmem:v62+s15+$0x0] =	vst.idx.msk $0xffff, v18  }
0x2bc: {  	v16 =	vadd.s32 v16, v49;
	v63 =	vor.u32 v13, v51;
	v17 =	vld.idx.msk [tilespmem:v17+s13+$0x0], $0xffff  }
0x2bd: {  	v16 =	vadd.s32 v14, v16;
	_ =	sdelay $0x3  }
0x2be: {  	[tilespmem:v63+s15+$0x0] =	vst.idx.msk $0xffff, v17  }
0x2bf: {  	v17 =	vor.u32 v15, v51;
	v16 =	vld.idx.msk [tilespmem:v16+s13+$0x0], $0xffff  }
0x2c0: {  	s20 =	sadd.s32 s5, s20  }
0x2c1: {  	s21 =	sshll.u32 s20, $0x7  }
0x2c2: {  	s19 =	sadd.s32 $0x1, s19;
	s20 =	sshll.u32 s20, $0xA;
	s21 =	sand.u32 $0x3F80, s21  }
0x2c3: {  	p0 =	sne.s32 s19, $0x28;
	s20 =	sand.u32 $0xFFE0000, s20;
	s21 =	sadd.s32 s2, s21  }
.Ltmp2:
0x2c4: {  	s20 =	sadd.s32 s20, s21;
	[tilespmem:v17+s15+$0x0] =	vst.idx.msk $0xffff, v16;
	(pc) =	sbr.rel @p0 .LBB2_2-.Ltmp2, $4  }
0x2c5: {  	[hbm4b:s20+s16] =	stream.strided.scatter [tilespmem:s15], [sflag:$0x2], $0x2000, s17, s16, $0x38;
	[tilespmem:$0xF000] =	vst v63  }
0x2c6: {  	_ =	swait.ge [sflag:s9], $0x2000  }
0x2c7: {  	[sflag:s9] =	ssyncset.done $0x0  }
0x2c8: {  	[sflag:s9] =	ssyncadd.s32 $0xFFFFE000  }
0x2c9: {  	s18 =	sadd.s32 $0x1, s18  }
0x2ca: {  	p0 =	sne.s32 s18, s8  }
.Ltmp3:
0x2cb: {  	_ = 	snop;
	(pc) =	sbr.rel @p0 .LBB2_1-.Ltmp3, $1  }
0x2cc: {  	_ =	sdelay $0x3  }
0x2cd: {  	_ =	sfence.sel $0x180000  }
0x2ce: {  	[bflag:$0x0] =	sbarrier.arrive $0xFFFF  }
0x2cf: {  	p0 =	sne.s32 s0, $0x0;
	_ =	strace $0x90000047  }
0x2d0: {  	s0 =	sadd.s32 @!p0 $0x100000, s1;
	[bflag:$0x2] =	sbarrier.arrive $0xFFFF  }
0x2d1: {  	[sflag:s0] =	ssyncadd.tile.s32 @!p0 $0x1;
	_ =	shalt  }
.Lfunc_end2:
_tile_overlayer_lowered:
.L_overlay_start_2:
0x2d2: {  	(tag) =	ssettag $0x2  }
0x2d3: {  	s0 =	rddreg [dreg:$0x0];
	s2 =	stileid.u32  }
0x2d4: {  	s1 =	rddreg [dreg:$0x1];
	p0 =	sne.s32 s2, $0x0  }
0x2d5: {  	s3 =	rddreg [dreg:$0x2];
	[bflag:$0x3] =	sbarrier.arrive $0xFFFF;
	s2 =	simm.s32 @!p0 $0x1C02  }
0x2d6: {  	[timem:s3], [sflag:s2] =	dma.local @!p0 [hbm:s0], s1  }
0x2d7: {  	s0 =	simm.s32 @!p0 $0x2  }
0x2d8: {  	_ =	swait.ge @!p0 [sflag:s0], s1  }
0x2d9: {  	s1 =	ssub.s32 @!p0 $0x0, s1;
	[sflag:s0] =	ssyncset.done @!p0 $0x0  }
0x2da: {  	[sflag:s0] =	ssyncadd.s32 @!p0 s1  }
0x2db: {  	[bflag:$0x3] =	sbarrier.arrive $0xFFFF  }
0x2dc: {  	_ =	shalt  }

</sc_bundles>
